<compile_context>
chip_gen: v7x
topology: tpu7x:2x2x1
jax: 0.10.2.dev20260603
libtpu: 0.0.44.dev20260713+nightly
codegen_flags: <defaults>
</compile_context>

<pallas_src>
import dataclasses

import jax
import jax.numpy as jnp
from jax import lax
from jax.experimental import pallas as pl
from jax.experimental.pallas import tpu as pltpu
from jax.experimental.pallas import tpu_sc as plsc

B, N, D = 16, 512, 128
E = 8
H1, H2 = 256, 256
NA = B * N
T = 128
P = NA + E * T
NT = P // T
SENT = NA
NW = 32
NS = 16
SLICE = P // NW
GCH = 80
CHUNK = NA // NS


def _route_body(z_ref, dest_ref, teid_ref):
    z = z_ref[...]
    ri = lax.broadcasted_iota(jnp.int32, (128, 128), 0)
    ci = lax.broadcasted_iota(jnp.int32, (128, 128), 1)
    upper_incl = (ri <= ci).astype(jnp.float32)
    ones128 = jnp.ones((128, 128), jnp.float32)
    r64 = lax.broadcasted_iota(jnp.int32, (64, 64), 0)
    c64 = lax.broadcasted_iota(jnp.int32, (64, 64), 1)
    lower_strict = (c64 < r64).astype(jnp.float32)
    destf = jnp.zeros((64, 128), jnp.float32)
    pstart = jnp.int32(0)
    pends = []
    for e in range(E):
        m = z == e
        mf = m.astype(jnp.float32)
        rowcum = lax.dot(mf, upper_incl)
        rowsum = lax.dot(mf, ones128)
        prefrows = lax.dot(lower_strict, rowsum)
        rank = rowcum + prefrows - mf
        c = jnp.sum(m.astype(jnp.int32))
        pc = ((c + T - 1) // T) * T
        destf = destf + mf * (rank + pstart.astype(jnp.float32))
        pstart = pstart + pc
        pends.append(pstart)
    dest_ref[...] = destf.astype(jnp.int32)
    tv = lax.broadcasted_iota(jnp.int32, (8, 128), 1) * T
    acc = jnp.zeros((8, 128), jnp.int32)
    for pe in pends:
        acc = acc + (tv >= pe).astype(jnp.int32)
    teid_ref[...] = jnp.minimum(acc, 7)


def _route(z2d):
    return pl.pallas_call(
        _route_body,
        out_shape=(
            jax.ShapeDtypeStruct((64, 128), jnp.int32),
            jax.ShapeDtypeStruct((8, 128), jnp.int32),
        ),
    )(z2d)


def _sc_body(dest_hbm, x_hbm, xg_hbm, bid_hbm,
             dest_v, bid_v, initb_v, xchunk_v, xchunk2_v, bidout_v,
             xg_sh, bid_sh, sem, sem2):
    sid = lax.axis_index("s")
    wid = sid * 2 + lax.axis_index("c")
    base = wid * SLICE

    splat16 = jnp.full((16,), 16, jnp.int32)

    @pl.loop(0, P // NS, step=16)
    def _init(i):
        initb_v[pl.ds(i, 16)] = splat16

    pltpu.sync_copy(initb_v, bid_sh.at[pl.ds(sid * (P // NS), P // NS)])

    pltpu.sync_copy(dest_hbm.at[pl.ds(sid * 4, 4)], dest_v)
    mybid = jnp.full((16,), 0, jnp.int32) + sid

    @pl.loop(0, 4)
    def _bidfill(j):
        @pl.loop(0, 128, step=16)
        def _(i):
            bid_v[j, pl.ds(i, 16)] = mybid

    plsc.subcore_barrier()

    xbufs = (xchunk_v, xchunk2_v)
    pend = []
    waited = set()
    for j in range(4):
        buf = xbufs[j % 2]
        if j >= 2:
            pend[2 * (j - 2)].wait()
            waited.add(2 * (j - 2))
        pltpu.sync_copy(x_hbm.at[pl.ds(sid * CHUNK + j * 128, 128)], buf)
        pend.append(pltpu.async_copy(buf, xg_sh.at[dest_v.at[j]], sem))
        pend.append(pltpu.async_copy(bid_v.at[j], bid_sh.at[dest_v.at[j]],
                                     sem2))
    for k, cp in enumerate(pend):
        if k not in waited:
            cp.wait()

    plsc.subcore_barrier()

    pltpu.sync_copy(xg_sh.at[pl.ds(base, SLICE)], xg_hbm.at[pl.ds(base, SLICE)])
    pltpu.sync_copy(bid_sh.at[pl.ds(base, SLICE)], bidout_v)
    pltpu.sync_copy(bidout_v, bid_hbm.at[pl.ds(base, SLICE)])


def _sc_gather(dest2d, x_flat):
    mesh = plsc.VectorSubcoreMesh(
        core_axis_name="c", subcore_axis_name="s", num_cores=2, num_subcores=16
    )
    cp = pltpu.CompilerParams()
    if "needs_layout_passes" in pltpu.CompilerParams.__dataclass_fields__:
        cp = dataclasses.replace(cp, needs_layout_passes=False)
    run = pl.kernel(
        _sc_body,
        out_type=(
            jax.ShapeDtypeStruct((P, D), jnp.float32),
            jax.ShapeDtypeStruct((P,), jnp.int32),
        ),
        mesh=mesh,
        compiler_params=cp,
        scratch_types=[
            pltpu.VMEM((4, 128), jnp.int32),
            pltpu.VMEM((4, 128), jnp.int32),
            pltpu.VMEM((P // NS,), jnp.int32),
            pltpu.VMEM((128, D), jnp.float32),
            pltpu.VMEM((128, D), jnp.float32),
            pltpu.VMEM((SLICE,), jnp.int32),
            pltpu.VMEM_SHARED((P, D), jnp.float32),
            pltpu.VMEM_SHARED((P,), jnp.int32),
            pltpu.SemaphoreType.DMA,
            pltpu.SemaphoreType.DMA,
        ],
    )
    return run(dest2d, x_flat)


NI = 8


def _mlp_body(s_ref, xg_ref, bid_ref, *refs):
    out_ref = refs[-1]
    wrefs = tuple(
        (refs[3 * h], refs[3 * h + 1], refs[3 * h + 2]) for h in range(NI))
    t = pl.program_id(0)
    contrib = jnp.zeros((1, 16), jnp.float32)
    for half in range(NI):
        w1_ref, w2_ref, aux_ref = wrefs[half]
        aux = aux_ref[0]
        sl = pl.ds(half * T, T)
        bid = bid_ref[sl, :]
        x = jnp.where(bid < 16, xg_ref[sl, :], 0.0)
        oh = (bid == lax.broadcasted_iota(jnp.int32, (1, 16), 1)).astype(
            jnp.float32)
        h = jnp.tanh(lax.dot(x, w1_ref[0]) + aux[0:1, :])
        h = jnp.tanh(lax.dot(h, w2_ref[0]) + aux[1:2, :])
        y = jnp.sum(h * aux[2:3, :], axis=1, keepdims=True)
        y = y + aux[3:4, 0:1]
        contrib = contrib + jnp.sum(oh * y, axis=0, keepdims=True)

    @pl.when(t == 0)
    def _():
        out_ref[...] = jnp.zeros((8, 16), jnp.float32)

    out_ref[...] = out_ref[...] + jnp.broadcast_to(contrib, (8, 16))


def _mlp(teid, xg, bidcol, W1, W2, aux):
    wspecs = []
    for half in range(NI):
        wspecs.append(pl.BlockSpec(
            (1, D, H1), lambda t, s, h=half: (s[NI * t + h], 0, 0)))
        wspecs.append(pl.BlockSpec(
            (1, H1, H2), lambda t, s, h=half: (s[NI * t + h], 0, 0)))
        wspecs.append(pl.BlockSpec(
            (1, 8, H2), lambda t, s, h=half: (s[NI * t + h], 0, 0)))
    grid_spec = pltpu.PrefetchScalarGridSpec(
        num_scalar_prefetch=1,
        grid=(NT // NI,),
        in_specs=[
            pl.BlockSpec((NI * T, D), lambda t, s: (t, 0)),
            pl.BlockSpec((NI * T, 1), lambda t, s: (t, 0)),
            *wspecs,
        ],
        out_specs=pl.BlockSpec((8, 16), lambda t, s: (0, 0)),
    )
    return pl.pallas_call(
        _mlp_body,
        grid_spec=grid_spec,
        out_shape=jax.ShapeDtypeStruct((8, 16), jnp.float32),
    )(teid, xg, bidcol, *([W1, W2, aux] * NI))


def kernel(X, Z, W1, b1, W2, b2, W3, b3):
    x_flat = X.reshape(NA, D)
    z2d = Z.reshape(64, 128).astype(jnp.int32)
    dest2d, teid2d = _route(z2d)
    xg, bid = _sc_gather(dest2d, x_flat)
    teid = teid2d[0, :NT]
    aux = jnp.concatenate(
        [
            b1[:, None, :],
            b2[:, None, :],
            W3.reshape(E, 1, H2),
            jnp.broadcast_to(b3.reshape(E, 1, 1), (E, 1, H2)),
            jnp.zeros((E, 4, H2), jnp.float32),
        ],
        axis=1,
    )
    out = _mlp(teid, xg, bid.reshape(P, 1), W1, W2, aux)
    return out[0]

# --- scband reference (transcript-rebuilt; emitter-appended) ---
"""Pipeline reference for scband-bphdnnp-61435212202592 (READ-ONLY COPY).

The authoritative reference and input builder live on the scoring server;
editing this copy changes nothing except your own understanding.
"""

import jax, jax.numpy as jnp
import numpy as np

B, N, D = 16, 512, 128
E = 8
H1, H2 = 256, 256


def setup_inputs(seed: int = 0) -> dict:
    key = jax.random.key(seed)
    ks = jax.random.split(key, 8)
    X = jax.random.normal(ks[0], (B, N, D), dtype=jnp.float32)
    Z = jax.random.randint(ks[1], (B, N), 0, E, dtype=jnp.int64)
    W1 = jax.random.normal(ks[2], (E, D, H1), dtype=jnp.float32) * (1.0 / np.sqrt(D))
    b1 = jnp.zeros((E, H1), dtype=jnp.float32)
    W2 = jax.random.normal(ks[3], (E, H1, H2), dtype=jnp.float32) * (1.0 / np.sqrt(H1))
    b2 = jnp.zeros((E, H2), dtype=jnp.float32)
    W3 = jax.random.normal(ks[4], (E, H2, 1), dtype=jnp.float32) * (1.0 / np.sqrt(H2))
    b3 = jnp.zeros((E, 1), dtype=jnp.float32)
    return {"X": X, "Z": Z, "W1": W1, "b1": b1, "W2": W2, "b2": b2, "W3": W3, "b3": b3}


def _atomic_nn(x, w1, bb1, w2, bb2, w3, bb3):
    h = jnp.tanh(x @ w1 + bb1)
    h = jnp.tanh(h @ w2 + bb2)
    return h @ w3 + bb3


def reference(X, Z, W1, b1, W2, b2, W3, b3):
    X_flat = X.reshape(-1, D)            # [B*N, D]
    Z_flat = Z.reshape(-1)               # [B*N]
    E_flat = jnp.zeros((X_flat.shape[0], 1), dtype=jnp.float32)
    for elem_id in range(E):
        out_e = _atomic_nn(X_flat, W1[elem_id], b1[elem_id], W2[elem_id], b2[elem_id], W3[elem_id], b3[elem_id])
        mask = (Z_flat == elem_id)[:, None]
        E_flat = jnp.where(mask, out_e, E_flat)
    E_atoms = E_flat.reshape(B, N, 1)
    E_total = jnp.sum(E_atoms, axis=1)   # [B, 1]
    return jnp.squeeze(E_total, axis=-1) # [B]

if __name__ == "__main__":
    import jax
    _d = setup_inputs()
    print(jax.jit(kernel)(*tuple(_d.values())))

</pallas_src>

<mosaic_0001>
#map = affine_map<(d0, d1) -> (0, 0)>
#map1 = affine_map<(d0, d1) -> (0)>
module attributes {stable_mosaic.version = 14 : i64} {
  func.func @_sc_body(%arg0: i32, %arg1: i32, %arg2: memref<64x128xi32, #tpu.memory_space<hbm>>, %arg3: memref<8192x128xf32, #tpu.memory_space<hbm>>, %arg4: memref<9216x128xf32, #tpu.memory_space<hbm>>, %arg5: memref<9216xi32, #tpu.memory_space<hbm>>, %arg6: memref<4x128xi32, #tpu.memory_space<vmem>>, %arg7: memref<4x128xi32, #tpu.memory_space<vmem>>, %arg8: memref<576xi32, #tpu.memory_space<vmem>>, %arg9: memref<128x128xf32, #tpu.memory_space<vmem>>, %arg10: memref<128x128xf32, #tpu.memory_space<vmem>>, %arg11: memref<288xi32, #tpu.memory_space<vmem>>, %arg12: memref<9216x128xf32, #tpu.memory_space<vmem_shared>>, %arg13: memref<9216xi32, #tpu.memory_space<vmem_shared>>, %arg14: memref<!tpu.dma_semaphore, #tpu.memory_space<semaphore_mem>>, %arg15: memref<!tpu.dma_semaphore, #tpu.memory_space<semaphore_mem>>) attributes {dimension_semantics = [#tpu.dimension_semantics<core_parallel>, #tpu.dimension_semantics<subcore_parallel>], iteration_bounds = array<i64: 2, 16>, scalar_prefetch = 0 : i64, scratch_operands = 10 : i64, tpu.core_type = #tpu.core_type<sc_vector_subcore>, window_params = [{transform_indices = #map}, {transform_indices = #map}, {transform_indices = #map}, {transform_indices = #map1}]} {
    %mul3A = arith.constant 2 : i32
    %mul3A_0 = arith.muli %arg1, %mul3A : i32
    %add3A = arith.addi %mul3A_0, %arg0 : i32
    %mul3A_1 = arith.constant 288 : i32
    %mul3A_2 = arith.muli %add3A, %mul3A_1 : i32
    %broadcast_in_dim3A = arith.constant 16 : i32
    %broadcast_in_dim3A_3 = vector.broadcast %broadcast_in_dim3A : i32 to vector<16xi32>
    %scan3A = arith.constant 0 : i32
    %scan3A_4 = arith.constant 36 : i32
    %scan3A_5 = arith.addi %scan3A, %scan3A_4 : i32
    %scan3A_6 = arith.constant 1 : i32
    scf.for %scan3A_172 = %scan3A to %scan3A_5 step %scan3A_6  : i32 {
      %mul3A_173 = arith.constant 16 : i32
      %mul3A_174 = arith.muli %scan3A_172, %mul3A_173 : i32
      %add3A_175 = arith.constant 0 : i32
      %add3A_176 = arith.addi %add3A_175, %mul3A_174 : i32
      %swap3A = arith.index_cast %add3A_176 : i32 to index
      %swap3A_177 = tpu.vector_load %arg8[%swap3A] {strides = array<i32>} : memref<576xi32, #tpu.memory_space<vmem>>, vector<16xi32>,
      tpu.vector_store %arg8[%swap3A], %broadcast_in_dim3A_3 {strides = array<i32>} : memref<576xi32, #tpu.memory_space<vmem>>, vector<16xi32>,
    }
    %scan3A_7 = arith.constant 36 : i32
    %mul3A_8 = arith.constant 576 : i32
    %mul3A_9 = arith.muli %arg1, %mul3A_8 : i32
    "tpu.region"() ({
      %run_scoped3A = tpu.sem_alloc : memref<!tpu.dma_semaphore, #tpu.memory_space<semaphore_mem>>
      %dma_start3A_172 = tpu.memref_slice %arg13[%mul3A_9] : memref<9216xi32, #tpu.memory_space<vmem_shared>> -> memref<576xi32, #tpu.memory_space<vmem_shared>>
      %dma_start3A_173 = tpu.memref_slice %arg13[%mul3A_9] : memref<9216xi32, #tpu.memory_space<vmem_shared>> -> memref<576xi32, #tpu.memory_space<vmem_shared>>
      tpu.enqueue_dma source(%arg8 : memref<576xi32, #tpu.memory_space<vmem>>) target(%dma_start3A_173 : memref<576xi32, #tpu.memory_space<vmem_shared>>) target_semaphore(%run_scoped3A : memref<!tpu.dma_semaphore, #tpu.memory_space<semaphore_mem>>)
      %dma_wait3A_174 = tpu.memref_slice %arg13[%mul3A_9] : memref<9216xi32, #tpu.memory_space<vmem_shared>> -> memref<576xi32, #tpu.memory_space<vmem_shared>>
      %dma_wait3A_175 = tpu.memref_slice %arg13[%mul3A_9] : memref<9216xi32, #tpu.memory_space<vmem_shared>> -> memref<576xi32, #tpu.memory_space<vmem_shared>>
      tpu.wait_dma2 semaphore(%run_scoped3A : memref<!tpu.dma_semaphore, #tpu.memory_space<semaphore_mem>>) src(%arg8 : memref<576xi32, #tpu.memory_space<vmem>>) dst(%dma_wait3A_175 : memref<576xi32, #tpu.memory_space<vmem_shared>>)
      tpu.yield
    }) : () -> ()
    %mul3A_10 = arith.constant 4 : i32
    %mul3A_11 = arith.muli %arg1, %mul3A_10 : i32
    "tpu.region"() ({
      %run_scoped3A = tpu.sem_alloc : memref<!tpu.dma_semaphore, #tpu.memory_space<semaphore_mem>>
      %dma_start3A_172 = arith.constant 0 : i32
      %dma_start3A_173 = tpu.memref_slice %arg2[%mul3A_11, %dma_start3A_172] : memref<64x128xi32, #tpu.memory_space<hbm>> -> memref<4x128xi32, #tpu.memory_space<hbm>>
      %dma_start3A_174 = arith.constant 0 : i32
      %dma_start3A_175 = tpu.memref_slice %arg2[%mul3A_11, %dma_start3A_174] : memref<64x128xi32, #tpu.memory_space<hbm>> -> memref<4x128xi32, #tpu.memory_space<hbm>>
      tpu.enqueue_dma source(%dma_start3A_175 : memref<4x128xi32, #tpu.memory_space<hbm>>) target(%arg6 : memref<4x128xi32, #tpu.memory_space<vmem>>) target_semaphore(%run_scoped3A : memref<!tpu.dma_semaphore, #tpu.memory_space<semaphore_mem>>)
      %dma_wait3A_176 = arith.constant 0 : i32
      %dma_wait3A_177 = tpu.memref_slice %arg2[%mul3A_11, %dma_wait3A_176] : memref<64x128xi32, #tpu.memory_space<hbm>> -> memref<4x128xi32, #tpu.memory_space<hbm>>
      %dma_wait3A_178 = arith.constant 0 : i32
      %dma_wait3A_179 = tpu.memref_slice %arg2[%mul3A_11, %dma_wait3A_178] : memref<64x128xi32, #tpu.memory_space<hbm>> -> memref<4x128xi32, #tpu.memory_space<hbm>>
      tpu.wait_dma2 semaphore(%run_scoped3A : memref<!tpu.dma_semaphore, #tpu.memory_space<semaphore_mem>>) src(%dma_wait3A_179 : memref<4x128xi32, #tpu.memory_space<hbm>>) dst(%arg6 : memref<4x128xi32, #tpu.memory_space<vmem>>)
      tpu.yield
    }) : () -> ()
    %broadcast_in_dim3A_12 = arith.constant 0 : i32
    %broadcast_in_dim3A_13 = vector.broadcast %broadcast_in_dim3A_12 : i32 to vector<16xi32>
    %add3A_14 = vector.broadcast %arg1 : i32 to vector<16xi32>
    %add3A_15 = arith.addi %broadcast_in_dim3A_13, %add3A_14 : vector<16xi32>
    %scan3A_16 = arith.constant 0 : i32
    %scan3A_17 = arith.constant 4 : i32
    %scan3A_18 = arith.addi %scan3A_16, %scan3A_17 : i32
    %scan3A_19 = arith.constant 1 : i32
    scf.for %scan3A_172 = %scan3A_16 to %scan3A_18 step %scan3A_19  : i32 {
      %mul3A_173 = arith.constant 1 : i32
      %mul3A_174 = arith.muli %scan3A_172, %mul3A_173 : i32
      %add3A_175 = arith.constant 0 : i32
      %add3A_176 = arith.addi %add3A_175, %mul3A_174 : i32
      %scan3A_177 = arith.constant 0 : i32
      %scan3A_178 = arith.constant 8 : i32
      %scan3A_179 = arith.addi %scan3A_177, %scan3A_178 : i32
      %scan3A_180 = arith.constant 1 : i32
      scf.for %scan3A_182 = %scan3A_177 to %scan3A_179 step %scan3A_180  : i32 {
        %mul3A_183 = arith.constant 16 : i32
        %mul3A_184 = arith.muli %scan3A_182, %mul3A_183 : i32
        %add3A_185 = arith.constant 0 : i32
        %add3A_186 = arith.addi %add3A_185, %mul3A_184 : i32
        %swap3A = arith.index_cast %add3A_176 : i32 to index
        %swap3A_187 = arith.index_cast %add3A_186 : i32 to index
        %swap3A_188 = tpu.vector_load %arg7[%swap3A, %swap3A_187] {strides = array<i32>} : memref<4x128xi32, #tpu.memory_space<vmem>>, vector<16xi32>,
        tpu.vector_store %arg7[%swap3A, %swap3A_187], %add3A_15 {strides = array<i32>} : memref<4x128xi32, #tpu.memory_space<vmem>>, vector<16xi32>,
      }
      %scan3A_181 = arith.constant 8 : i32
    }
    %scan3A_20 = arith.constant 4 : i32
    %barrier3A = arith.constant 0 : index
    tpu.barrier barrier_id(%barrier3A)
    %mul3A_21 = arith.constant 512 : i32
    %mul3A_22 = arith.muli %arg1, %mul3A_21 : i32
    %add3A_23 = arith.constant 0 : i32
    %add3A_24 = arith.addi %mul3A_22, %add3A_23 : i32
    "tpu.region"() ({
      %run_scoped3A = tpu.sem_alloc : memref<!tpu.dma_semaphore, #tpu.memory_space<semaphore_mem>>
      %dma_start3A_172 = arith.constant 0 : i32
      %dma_start3A_173 = tpu.memref_slice %arg3[%add3A_24, %dma_start3A_172] : memref<8192x128xf32, #tpu.memory_space<hbm>> -> memref<128x128xf32, #tpu.memory_space<hbm>>
      %dma_start3A_174 = arith.constant 0 : i32
      %dma_start3A_175 = tpu.memref_slice %arg3[%add3A_24, %dma_start3A_174] : memref<8192x128xf32, #tpu.memory_space<hbm>> -> memref<128x128xf32, #tpu.memory_space<hbm>>
      tpu.enqueue_dma source(%dma_start3A_175 : memref<128x128xf32, #tpu.memory_space<hbm>>) target(%arg9 : memref<128x128xf32, #tpu.memory_space<vmem>>) target_semaphore(%run_scoped3A : memref<!tpu.dma_semaphore, #tpu.memory_space<semaphore_mem>>)
      %dma_wait3A_176 = arith.constant 0 : i32
      %dma_wait3A_177 = tpu.memref_slice %arg3[%add3A_24, %dma_wait3A_176] : memref<8192x128xf32, #tpu.memory_space<hbm>> -> memref<128x128xf32, #tpu.memory_space<hbm>>
      %dma_wait3A_178 = arith.constant 0 : i32
      %dma_wait3A_179 = tpu.memref_slice %arg3[%add3A_24, %dma_wait3A_178] : memref<8192x128xf32, #tpu.memory_space<hbm>> -> memref<128x128xf32, #tpu.memory_space<hbm>>
      tpu.wait_dma2 semaphore(%run_scoped3A : memref<!tpu.dma_semaphore, #tpu.memory_space<semaphore_mem>>) src(%dma_wait3A_179 : memref<128x128xf32, #tpu.memory_space<hbm>>) dst(%arg9 : memref<128x128xf32, #tpu.memory_space<vmem>>)
      tpu.yield
    }) : () -> ()
    %dma_start3A = arith.constant 0 : i32
    %dma_start3A_25 = arith.constant 0 : i32
    %dma_start3A_26 = tpu.memref_slice %arg6[%dma_start3A, %dma_start3A_25] : memref<4x128xi32, #tpu.memory_space<vmem>> -> memref<1x128xi32, #tpu.memory_space<vmem>>
    %dma_start3A_27 = tpu.memref_squeeze %dma_start3A_26 : memref<1x128xi32, #tpu.memory_space<vmem>> -> memref<128xi32, #tpu.memory_space<vmem>>
    %dma_start3A_28 = arith.constant 0 : i32
    %dma_start3A_29 = arith.constant 0 : i32
    %dma_start3A_30 = tpu.memref_slice %arg12[%dma_start3A_28, %dma_start3A_29] : memref<9216x128xf32, #tpu.memory_space<vmem_shared>> -> memref<9216x128xf32, #tpu.memory_space<vmem_shared>>
    tpu.enqueue_indirect_dma source(%arg9 : memref<128x128xf32, #tpu.memory_space<vmem>>) target(%dma_start3A_30 : memref<9216x128xf32, #tpu.memory_space<vmem_shared>>) offsets(%dma_start3A_27 : memref<128xi32, #tpu.memory_space<vmem>>) semaphore(%arg14 : memref<!tpu.dma_semaphore, #tpu.memory_space<semaphore_mem>>)
    %dma_start3A_31 = arith.constant 0 : i32
    %dma_start3A_32 = arith.constant 0 : i32
    %dma_start3A_33 = arith.constant 0 : i32
    %dma_start3A_34 = tpu.memref_slice %arg7[%dma_start3A_31, %dma_start3A_33] : memref<4x128xi32, #tpu.memory_space<vmem>> -> memref<1x128xi32, #tpu.memory_space<vmem>>
    %dma_start3A_35 = tpu.memref_squeeze %dma_start3A_34 : memref<1x128xi32, #tpu.memory_space<vmem>> -> memref<128xi32, #tpu.memory_space<vmem>>
    %dma_start3A_36 = arith.constant 0 : i32
    %dma_start3A_37 = tpu.memref_slice %arg6[%dma_start3A_32, %dma_start3A_36] : memref<4x128xi32, #tpu.memory_space<vmem>> -> memref<1x128xi32, #tpu.memory_space<vmem>>
    %dma_start3A_38 = tpu.memref_squeeze %dma_start3A_37 : memref<1x128xi32, #tpu.memory_space<vmem>> -> memref<128xi32, #tpu.memory_space<vmem>>
    %dma_start3A_39 = arith.constant 0 : i32
    %dma_start3A_40 = tpu.memref_slice %arg13[%dma_start3A_39] : memref<9216xi32, #tpu.memory_space<vmem_shared>> -> memref<9216xi32, #tpu.memory_space<vmem_shared>>
    tpu.enqueue_indirect_dma source(%dma_start3A_35 : memref<128xi32, #tpu.memory_space<vmem>>) target(%dma_start3A_40 : memref<9216xi32, #tpu.memory_space<vmem_shared>>) offsets(%dma_start3A_38 : memref<128xi32, #tpu.memory_space<vmem>>) semaphore(%arg15 : memref<!tpu.dma_semaphore, #tpu.memory_space<semaphore_mem>>)
    %mul3A_41 = arith.constant 512 : i32
    %mul3A_42 = arith.muli %arg1, %mul3A_41 : i32
    %add3A_43 = arith.constant 128 : i32
    %add3A_44 = arith.addi %mul3A_42, %add3A_43 : i32
    "tpu.region"() ({
      %run_scoped3A = tpu.sem_alloc : memref<!tpu.dma_semaphore, #tpu.memory_space<semaphore_mem>>
      %dma_start3A_172 = arith.constant 0 : i32
      %dma_start3A_173 = tpu.memref_slice %arg3[%add3A_44, %dma_start3A_172] : memref<8192x128xf32, #tpu.memory_space<hbm>> -> memref<128x128xf32, #tpu.memory_space<hbm>>
      %dma_start3A_174 = arith.constant 0 : i32
      %dma_start3A_175 = tpu.memref_slice %arg3[%add3A_44, %dma_start3A_174] : memref<8192x128xf32, #tpu.memory_space<hbm>> -> memref<128x128xf32, #tpu.memory_space<hbm>>
      tpu.enqueue_dma source(%dma_start3A_175 : memref<128x128xf32, #tpu.memory_space<hbm>>) target(%arg10 : memref<128x128xf32, #tpu.memory_space<vmem>>) target_semaphore(%run_scoped3A : memref<!tpu.dma_semaphore, #tpu.memory_space<semaphore_mem>>)
      %dma_wait3A_176 = arith.constant 0 : i32
      %dma_wait3A_177 = tpu.memref_slice %arg3[%add3A_44, %dma_wait3A_176] : memref<8192x128xf32, #tpu.memory_space<hbm>> -> memref<128x128xf32, #tpu.memory_space<hbm>>
      %dma_wait3A_178 = arith.constant 0 : i32
      %dma_wait3A_179 = tpu.memref_slice %arg3[%add3A_44, %dma_wait3A_178] : memref<8192x128xf32, #tpu.memory_space<hbm>> -> memref<128x128xf32, #tpu.memory_space<hbm>>
      tpu.wait_dma2 semaphore(%run_scoped3A : memref<!tpu.dma_semaphore, #tpu.memory_space<semaphore_mem>>) src(%dma_wait3A_179 : memref<128x128xf32, #tpu.memory_space<hbm>>) dst(%arg10 : memref<128x128xf32, #tpu.memory_space<vmem>>)
      tpu.yield
    }) : () -> ()
    %dma_start3A_45 = arith.constant 1 : i32
    %dma_start3A_46 = arith.constant 0 : i32
    %dma_start3A_47 = tpu.memref_slice %arg6[%dma_start3A_45, %dma_start3A_46] : memref<4x128xi32, #tpu.memory_space<vmem>> -> memref<1x128xi32, #tpu.memory_space<vmem>>
    %dma_start3A_48 = tpu.memref_squeeze %dma_start3A_47 : memref<1x128xi32, #tpu.memory_space<vmem>> -> memref<128xi32, #tpu.memory_space<vmem>>
    %dma_start3A_49 = arith.constant 0 : i32
    %dma_start3A_50 = arith.constant 0 : i32
    %dma_start3A_51 = tpu.memref_slice %arg12[%dma_start3A_49, %dma_start3A_50] : memref<9216x128xf32, #tpu.memory_space<vmem_shared>> -> memref<9216x128xf32, #tpu.memory_space<vmem_shared>>
    tpu.enqueue_indirect_dma source(%arg10 : memref<128x128xf32, #tpu.memory_space<vmem>>) target(%dma_start3A_51 : memref<9216x128xf32, #tpu.memory_space<vmem_shared>>) offsets(%dma_start3A_48 : memref<128xi32, #tpu.memory_space<vmem>>) semaphore(%arg14 : memref<!tpu.dma_semaphore, #tpu.memory_space<semaphore_mem>>)
    %dma_start3A_52 = arith.constant 1 : i32
    %dma_start3A_53 = arith.constant 1 : i32
    %dma_start3A_54 = arith.constant 0 : i32
    %dma_start3A_55 = tpu.memref_slice %arg7[%dma_start3A_52, %dma_start3A_54] : memref<4x128xi32, #tpu.memory_space<vmem>> -> memref<1x128xi32, #tpu.memory_space<vmem>>
    %dma_start3A_56 = tpu.memref_squeeze %dma_start3A_55 : memref<1x128xi32, #tpu.memory_space<vmem>> -> memref<128xi32, #tpu.memory_space<vmem>>
    %dma_start3A_57 = arith.constant 0 : i32
    %dma_start3A_58 = tpu.memref_slice %arg6[%dma_start3A_53, %dma_start3A_57] : memref<4x128xi32, #tpu.memory_space<vmem>> -> memref<1x128xi32, #tpu.memory_space<vmem>>
    %dma_start3A_59 = tpu.memref_squeeze %dma_start3A_58 : memref<1x128xi32, #tpu.memory_space<vmem>> -> memref<128xi32, #tpu.memory_space<vmem>>
    %dma_start3A_60 = arith.constant 0 : i32
    %dma_start3A_61 = tpu.memref_slice %arg13[%dma_start3A_60] : memref<9216xi32, #tpu.memory_space<vmem_shared>> -> memref<9216xi32, #tpu.memory_space<vmem_shared>>
    tpu.enqueue_indirect_dma source(%dma_start3A_56 : memref<128xi32, #tpu.memory_space<vmem>>) target(%dma_start3A_61 : memref<9216xi32, #tpu.memory_space<vmem_shared>>) offsets(%dma_start3A_59 : memref<128xi32, #tpu.memory_space<vmem>>) semaphore(%arg15 : memref<!tpu.dma_semaphore, #tpu.memory_space<semaphore_mem>>)
    %dma_wait3A = arith.constant 0 : i32
    %dma_wait3A_62 = arith.constant 0 : i32
    %dma_wait3A_63 = tpu.memref_slice %arg6[%dma_wait3A, %dma_wait3A_62] : memref<4x128xi32, #tpu.memory_space<vmem>> -> memref<1x128xi32, #tpu.memory_space<vmem>>
    %dma_wait3A_64 = tpu.memref_squeeze %dma_wait3A_63 : memref<1x128xi32, #tpu.memory_space<vmem>> -> memref<128xi32, #tpu.memory_space<vmem>>
    %dma_wait3A_65 = arith.constant 0 : i32
    %dma_wait3A_66 = arith.constant 0 : i32
    %dma_wait3A_67 = tpu.memref_slice %arg12[%dma_wait3A_65, %dma_wait3A_66] : memref<9216x128xf32, #tpu.memory_space<vmem_shared>> -> memref<9216x128xf32, #tpu.memory_space<vmem_shared>>
    tpu.wait_indirect_dma semaphore(%arg14 : memref<!tpu.dma_semaphore, #tpu.memory_space<semaphore_mem>>) src(%arg9 : memref<128x128xf32, #tpu.memory_space<vmem>>) dst(%dma_wait3A_67 : memref<9216x128xf32, #tpu.memory_space<vmem_shared>>)
    %mul3A_68 = arith.constant 512 : i32
    %mul3A_69 = arith.muli %arg1, %mul3A_68 : i32
    %add3A_70 = arith.constant 256 : i32
    %add3A_71 = arith.addi %mul3A_69, %add3A_70 : i32
    "tpu.region"() ({
      %run_scoped3A = tpu.sem_alloc : memref<!tpu.dma_semaphore, #tpu.memory_space<semaphore_mem>>
      %dma_start3A_172 = arith.constant 0 : i32
      %dma_start3A_173 = tpu.memref_slice %arg3[%add3A_71, %dma_start3A_172] : memref<8192x128xf32, #tpu.memory_space<hbm>> -> memref<128x128xf32, #tpu.memory_space<hbm>>
      %dma_start3A_174 = arith.constant 0 : i32
      %dma_start3A_175 = tpu.memref_slice %arg3[%add3A_71, %dma_start3A_174] : memref<8192x128xf32, #tpu.memory_space<hbm>> -> memref<128x128xf32, #tpu.memory_space<hbm>>
      tpu.enqueue_dma source(%dma_start3A_175 : memref<128x128xf32, #tpu.memory_space<hbm>>) target(%arg9 : memref<128x128xf32, #tpu.memory_space<vmem>>) target_semaphore(%run_scoped3A : memref<!tpu.dma_semaphore, #tpu.memory_space<semaphore_mem>>)
      %dma_wait3A_176 = arith.constant 0 : i32
      %dma_wait3A_177 = tpu.memref_slice %arg3[%add3A_71, %dma_wait3A_176] : memref<8192x128xf32, #tpu.memory_space<hbm>> -> memref<128x128xf32, #tpu.memory_space<hbm>>
      %dma_wait3A_178 = arith.constant 0 : i32
      %dma_wait3A_179 = tpu.memref_slice %arg3[%add3A_71, %dma_wait3A_178] : memref<8192x128xf32, #tpu.memory_space<hbm>> -> memref<128x128xf32, #tpu.memory_space<hbm>>
      tpu.wait_dma2 semaphore(%run_scoped3A : memref<!tpu.dma_semaphore, #tpu.memory_space<semaphore_mem>>) src(%dma_wait3A_179 : memref<128x128xf32, #tpu.memory_space<hbm>>) dst(%arg9 : memref<128x128xf32, #tpu.memory_space<vmem>>)
      tpu.yield
    }) : () -> ()
    %dma_start3A_72 = arith.constant 2 : i32
    %dma_start3A_73 = arith.constant 0 : i32
    %dma_start3A_74 = tpu.memref_slice %arg6[%dma_start3A_72, %dma_start3A_73] : memref<4x128xi32, #tpu.memory_space<vmem>> -> memref<1x128xi32, #tpu.memory_space<vmem>>
    %dma_start3A_75 = tpu.memref_squeeze %dma_start3A_74 : memref<1x128xi32, #tpu.memory_space<vmem>> -> memref<128xi32, #tpu.memory_space<vmem>>
    %dma_start3A_76 = arith.constant 0 : i32
    %dma_start3A_77 = arith.constant 0 : i32
    %dma_start3A_78 = tpu.memref_slice %arg12[%dma_start3A_76, %dma_start3A_77] : memref<9216x128xf32, #tpu.memory_space<vmem_shared>> -> memref<9216x128xf32, #tpu.memory_space<vmem_shared>>
    tpu.enqueue_indirect_dma source(%arg9 : memref<128x128xf32, #tpu.memory_space<vmem>>) target(%dma_start3A_78 : memref<9216x128xf32, #tpu.memory_space<vmem_shared>>) offsets(%dma_start3A_75 : memref<128xi32, #tpu.memory_space<vmem>>) semaphore(%arg14 : memref<!tpu.dma_semaphore, #tpu.memory_space<semaphore_mem>>)
    %dma_start3A_79 = arith.constant 2 : i32
    %dma_start3A_80 = arith.constant 2 : i32
    %dma_start3A_81 = arith.constant 0 : i32
    %dma_start3A_82 = tpu.memref_slice %arg7[%dma_start3A_79, %dma_start3A_81] : memref<4x128xi32, #tpu.memory_space<vmem>> -> memref<1x128xi32, #tpu.memory_space<vmem>>
    %dma_start3A_83 = tpu.memref_squeeze %dma_start3A_82 : memref<1x128xi32, #tpu.memory_space<vmem>> -> memref<128xi32, #tpu.memory_space<vmem>>
    %dma_start3A_84 = arith.constant 0 : i32
    %dma_start3A_85 = tpu.memref_slice %arg6[%dma_start3A_80, %dma_start3A_84] : memref<4x128xi32, #tpu.memory_space<vmem>> -> memref<1x128xi32, #tpu.memory_space<vmem>>
    %dma_start3A_86 = tpu.memref_squeeze %dma_start3A_85 : memref<1x128xi32, #tpu.memory_space<vmem>> -> memref<128xi32, #tpu.memory_space<vmem>>
    %dma_start3A_87 = arith.constant 0 : i32
    %dma_start3A_88 = tpu.memref_slice %arg13[%dma_start3A_87] : memref<9216xi32, #tpu.memory_space<vmem_shared>> -> memref<9216xi32, #tpu.memory_space<vmem_shared>>
    tpu.enqueue_indirect_dma source(%dma_start3A_83 : memref<128xi32, #tpu.memory_space<vmem>>) target(%dma_start3A_88 : memref<9216xi32, #tpu.memory_space<vmem_shared>>) offsets(%dma_start3A_86 : memref<128xi32, #tpu.memory_space<vmem>>) semaphore(%arg15 : memref<!tpu.dma_semaphore, #tpu.memory_space<semaphore_mem>>)
    %dma_wait3A_89 = arith.constant 1 : i32
    %dma_wait3A_90 = arith.constant 0 : i32
    %dma_wait3A_91 = tpu.memref_slice %arg6[%dma_wait3A_89, %dma_wait3A_90] : memref<4x128xi32, #tpu.memory_space<vmem>> -> memref<1x128xi32, #tpu.memory_space<vmem>>
    %dma_wait3A_92 = tpu.memref_squeeze %dma_wait3A_91 : memref<1x128xi32, #tpu.memory_space<vmem>> -> memref<128xi32, #tpu.memory_space<vmem>>
    %dma_wait3A_93 = arith.constant 0 : i32
    %dma_wait3A_94 = arith.constant 0 : i32
    %dma_wait3A_95 = tpu.memref_slice %arg12[%dma_wait3A_93, %dma_wait3A_94] : memref<9216x128xf32, #tpu.memory_space<vmem_shared>> -> memref<9216x128xf32, #tpu.memory_space<vmem_shared>>
    tpu.wait_indirect_dma semaphore(%arg14 : memref<!tpu.dma_semaphore, #tpu.memory_space<semaphore_mem>>) src(%arg10 : memref<128x128xf32, #tpu.memory_space<vmem>>) dst(%dma_wait3A_95 : memref<9216x128xf32, #tpu.memory_space<vmem_shared>>)
    %mul3A_96 = arith.constant 512 : i32
    %mul3A_97 = arith.muli %arg1, %mul3A_96 : i32
    %add3A_98 = arith.constant 384 : i32
    %add3A_99 = arith.addi %mul3A_97, %add3A_98 : i32
    "tpu.region"() ({
      %run_scoped3A = tpu.sem_alloc : memref<!tpu.dma_semaphore, #tpu.memory_space<semaphore_mem>>
      %dma_start3A_172 = arith.constant 0 : i32
      %dma_start3A_173 = tpu.memref_slice %arg3[%add3A_99, %dma_start3A_172] : memref<8192x128xf32, #tpu.memory_space<hbm>> -> memref<128x128xf32, #tpu.memory_space<hbm>>
      %dma_start3A_174 = arith.constant 0 : i32
      %dma_start3A_175 = tpu.memref_slice %arg3[%add3A_99, %dma_start3A_174] : memref<8192x128xf32, #tpu.memory_space<hbm>> -> memref<128x128xf32, #tpu.memory_space<hbm>>
      tpu.enqueue_dma source(%dma_start3A_175 : memref<128x128xf32, #tpu.memory_space<hbm>>) target(%arg10 : memref<128x128xf32, #tpu.memory_space<vmem>>) target_semaphore(%run_scoped3A : memref<!tpu.dma_semaphore, #tpu.memory_space<semaphore_mem>>)
      %dma_wait3A_176 = arith.constant 0 : i32
      %dma_wait3A_177 = tpu.memref_slice %arg3[%add3A_99, %dma_wait3A_176] : memref<8192x128xf32, #tpu.memory_space<hbm>> -> memref<128x128xf32, #tpu.memory_space<hbm>>
      %dma_wait3A_178 = arith.constant 0 : i32
      %dma_wait3A_179 = tpu.memref_slice %arg3[%add3A_99, %dma_wait3A_178] : memref<8192x128xf32, #tpu.memory_space<hbm>> -> memref<128x128xf32, #tpu.memory_space<hbm>>
      tpu.wait_dma2 semaphore(%run_scoped3A : memref<!tpu.dma_semaphore, #tpu.memory_space<semaphore_mem>>) src(%dma_wait3A_179 : memref<128x128xf32, #tpu.memory_space<hbm>>) dst(%arg10 : memref<128x128xf32, #tpu.memory_space<vmem>>)
      tpu.yield
    }) : () -> ()
    %dma_start3A_100 = arith.constant 3 : i32
    %dma_start3A_101 = arith.constant 0 : i32
    %dma_start3A_102 = tpu.memref_slice %arg6[%dma_start3A_100, %dma_start3A_101] : memref<4x128xi32, #tpu.memory_space<vmem>> -> memref<1x128xi32, #tpu.memory_space<vmem>>
    %dma_start3A_103 = tpu.memref_squeeze %dma_start3A_102 : memref<1x128xi32, #tpu.memory_space<vmem>> -> memref<128xi32, #tpu.memory_space<vmem>>
    %dma_start3A_104 = arith.constant 0 : i32
    %dma_start3A_105 = arith.constant 0 : i32
    %dma_start3A_106 = tpu.memref_slice %arg12[%dma_start3A_104, %dma_start3A_105] : memref<9216x128xf32, #tpu.memory_space<vmem_shared>> -> memref<9216x128xf32, #tpu.memory_space<vmem_shared>>
    tpu.enqueue_indirect_dma source(%arg10 : memref<128x128xf32, #tpu.memory_space<vmem>>) target(%dma_start3A_106 : memref<9216x128xf32, #tpu.memory_space<vmem_shared>>) offsets(%dma_start3A_103 : memref<128xi32, #tpu.memory_space<vmem>>) semaphore(%arg14 : memref<!tpu.dma_semaphore, #tpu.memory_space<semaphore_mem>>)
    %dma_start3A_107 = arith.constant 3 : i32
    %dma_start3A_108 = arith.constant 3 : i32
    %dma_start3A_109 = arith.constant 0 : i32
    %dma_start3A_110 = tpu.memref_slice %arg7[%dma_start3A_107, %dma_start3A_109] : memref<4x128xi32, #tpu.memory_space<vmem>> -> memref<1x128xi32, #tpu.memory_space<vmem>>
    %dma_start3A_111 = tpu.memref_squeeze %dma_start3A_110 : memref<1x128xi32, #tpu.memory_space<vmem>> -> memref<128xi32, #tpu.memory_space<vmem>>
    %dma_start3A_112 = arith.constant 0 : i32
    %dma_start3A_113 = tpu.memref_slice %arg6[%dma_start3A_108, %dma_start3A_112] : memref<4x128xi32, #tpu.memory_space<vmem>> -> memref<1x128xi32, #tpu.memory_space<vmem>>
    %dma_start3A_114 = tpu.memref_squeeze %dma_start3A_113 : memref<1x128xi32, #tpu.memory_space<vmem>> -> memref<128xi32, #tpu.memory_space<vmem>>
    %dma_start3A_115 = arith.constant 0 : i32
    %dma_start3A_116 = tpu.memref_slice %arg13[%dma_start3A_115] : memref<9216xi32, #tpu.memory_space<vmem_shared>> -> memref<9216xi32, #tpu.memory_space<vmem_shared>>
    tpu.enqueue_indirect_dma source(%dma_start3A_111 : memref<128xi32, #tpu.memory_space<vmem>>) target(%dma_start3A_116 : memref<9216xi32, #tpu.memory_space<vmem_shared>>) offsets(%dma_start3A_114 : memref<128xi32, #tpu.memory_space<vmem>>) semaphore(%arg15 : memref<!tpu.dma_semaphore, #tpu.memory_space<semaphore_mem>>)
    %dma_wait3A_117 = arith.constant 0 : i32
    %dma_wait3A_118 = arith.constant 0 : i32
    %dma_wait3A_119 = arith.constant 0 : i32
    %dma_wait3A_120 = tpu.memref_slice %arg7[%dma_wait3A_117, %dma_wait3A_119] : memref<4x128xi32, #tpu.memory_space<vmem>> -> memref<1x128xi32, #tpu.memory_space<vmem>>
    %dma_wait3A_121 = tpu.memref_squeeze %dma_wait3A_120 : memref<1x128xi32, #tpu.memory_space<vmem>> -> memref<128xi32, #tpu.memory_space<vmem>>
    %dma_wait3A_122 = arith.constant 0 : i32
    %dma_wait3A_123 = tpu.memref_slice %arg6[%dma_wait3A_118, %dma_wait3A_122] : memref<4x128xi32, #tpu.memory_space<vmem>> -> memref<1x128xi32, #tpu.memory_space<vmem>>
    %dma_wait3A_124 = tpu.memref_squeeze %dma_wait3A_123 : memref<1x128xi32, #tpu.memory_space<vmem>> -> memref<128xi32, #tpu.memory_space<vmem>>
    %dma_wait3A_125 = arith.constant 0 : i32
    %dma_wait3A_126 = tpu.memref_slice %arg13[%dma_wait3A_125] : memref<9216xi32, #tpu.memory_space<vmem_shared>> -> memref<9216xi32, #tpu.memory_space<vmem_shared>>
    tpu.wait_indirect_dma semaphore(%arg15 : memref<!tpu.dma_semaphore, #tpu.memory_space<semaphore_mem>>) src(%dma_wait3A_121 : memref<128xi32, #tpu.memory_space<vmem>>) dst(%dma_wait3A_126 : memref<9216xi32, #tpu.memory_space<vmem_shared>>)
    %dma_wait3A_127 = arith.constant 1 : i32
    %dma_wait3A_128 = arith.constant 1 : i32
    %dma_wait3A_129 = arith.constant 0 : i32
    %dma_wait3A_130 = tpu.memref_slice %arg7[%dma_wait3A_127, %dma_wait3A_129] : memref<4x128xi32, #tpu.memory_space<vmem>> -> memref<1x128xi32, #tpu.memory_space<vmem>>
    %dma_wait3A_131 = tpu.memref_squeeze %dma_wait3A_130 : memref<1x128xi32, #tpu.memory_space<vmem>> -> memref<128xi32, #tpu.memory_space<vmem>>
    %dma_wait3A_132 = arith.constant 0 : i32
    %dma_wait3A_133 = tpu.memref_slice %arg6[%dma_wait3A_128, %dma_wait3A_132] : memref<4x128xi32, #tpu.memory_space<vmem>> -> memref<1x128xi32, #tpu.memory_space<vmem>>
    %dma_wait3A_134 = tpu.memref_squeeze %dma_wait3A_133 : memref<1x128xi32, #tpu.memory_space<vmem>> -> memref<128xi32, #tpu.memory_space<vmem>>
    %dma_wait3A_135 = arith.constant 0 : i32
    %dma_wait3A_136 = tpu.memref_slice %arg13[%dma_wait3A_135] : memref<9216xi32, #tpu.memory_space<vmem_shared>> -> memref<9216xi32, #tpu.memory_space<vmem_shared>>
    tpu.wait_indirect_dma semaphore(%arg15 : memref<!tpu.dma_semaphore, #tpu.memory_space<semaphore_mem>>) src(%dma_wait3A_131 : memref<128xi32, #tpu.memory_space<vmem>>) dst(%dma_wait3A_136 : memref<9216xi32, #tpu.memory_space<vmem_shared>>)
    %dma_wait3A_137 = arith.constant 2 : i32
    %dma_wait3A_138 = arith.constant 0 : i32
    %dma_wait3A_139 = tpu.memref_slice %arg6[%dma_wait3A_137, %dma_wait3A_138] : memref<4x128xi32, #tpu.memory_space<vmem>> -> memref<1x128xi32, #tpu.memory_space<vmem>>
    %dma_wait3A_140 = tpu.memref_squeeze %dma_wait3A_139 : memref<1x128xi32, #tpu.memory_space<vmem>> -> memref<128xi32, #tpu.memory_space<vmem>>
    %dma_wait3A_141 = arith.constant 0 : i32
    %dma_wait3A_142 = arith.constant 0 : i32
    %dma_wait3A_143 = tpu.memref_slice %arg12[%dma_wait3A_141, %dma_wait3A_142] : memref<9216x128xf32, #tpu.memory_space<vmem_shared>> -> memref<9216x128xf32, #tpu.memory_space<vmem_shared>>
    tpu.wait_indirect_dma semaphore(%arg14 : memref<!tpu.dma_semaphore, #tpu.memory_space<semaphore_mem>>) src(%arg9 : memref<128x128xf32, #tpu.memory_space<vmem>>) dst(%dma_wait3A_143 : memref<9216x128xf32, #tpu.memory_space<vmem_shared>>)
    %dma_wait3A_144 = arith.constant 2 : i32
    %dma_wait3A_145 = arith.constant 2 : i32
    %dma_wait3A_146 = arith.constant 0 : i32
    %dma_wait3A_147 = tpu.memref_slice %arg7[%dma_wait3A_144, %dma_wait3A_146] : memref<4x128xi32, #tpu.memory_space<vmem>> -> memref<1x128xi32, #tpu.memory_space<vmem>>
    %dma_wait3A_148 = tpu.memref_squeeze %dma_wait3A_147 : memref<1x128xi32, #tpu.memory_space<vmem>> -> memref<128xi32, #tpu.memory_space<vmem>>
    %dma_wait3A_149 = arith.constant 0 : i32
    %dma_wait3A_150 = tpu.memref_slice %arg6[%dma_wait3A_145, %dma_wait3A_149] : memref<4x128xi32, #tpu.memory_space<vmem>> -> memref<1x128xi32, #tpu.memory_space<vmem>>
    %dma_wait3A_151 = tpu.memref_squeeze %dma_wait3A_150 : memref<1x128xi32, #tpu.memory_space<vmem>> -> memref<128xi32, #tpu.memory_space<vmem>>
    %dma_wait3A_152 = arith.constant 0 : i32
    %dma_wait3A_153 = tpu.memref_slice %arg13[%dma_wait3A_152] : memref<9216xi32, #tpu.memory_space<vmem_shared>> -> memref<9216xi32, #tpu.memory_space<vmem_shared>>
    tpu.wait_indirect_dma semaphore(%arg15 : memref<!tpu.dma_semaphore, #tpu.memory_space<semaphore_mem>>) src(%dma_wait3A_148 : memref<128xi32, #tpu.memory_space<vmem>>) dst(%dma_wait3A_153 : memref<9216xi32, #tpu.memory_space<vmem_shared>>)
    %dma_wait3A_154 = arith.constant 3 : i32
    %dma_wait3A_155 = arith.constant 0 : i32
    %dma_wait3A_156 = tpu.memref_slice %arg6[%dma_wait3A_154, %dma_wait3A_155] : memref<4x128xi32, #tpu.memory_space<vmem>> -> memref<1x128xi32, #tpu.memory_space<vmem>>
    %dma_wait3A_157 = tpu.memref_squeeze %dma_wait3A_156 : memref<1x128xi32, #tpu.memory_space<vmem>> -> memref<128xi32, #tpu.memory_space<vmem>>
    %dma_wait3A_158 = arith.constant 0 : i32
    %dma_wait3A_159 = arith.constant 0 : i32
    %dma_wait3A_160 = tpu.memref_slice %arg12[%dma_wait3A_158, %dma_wait3A_159] : memref<9216x128xf32, #tpu.memory_space<vmem_shared>> -> memref<9216x128xf32, #tpu.memory_space<vmem_shared>>
    tpu.wait_indirect_dma semaphore(%arg14 : memref<!tpu.dma_semaphore, #tpu.memory_space<semaphore_mem>>) src(%arg10 : memref<128x128xf32, #tpu.memory_space<vmem>>) dst(%dma_wait3A_160 : memref<9216x128xf32, #tpu.memory_space<vmem_shared>>)
    %dma_wait3A_161 = arith.constant 3 : i32
    %dma_wait3A_162 = arith.constant 3 : i32
    %dma_wait3A_163 = arith.constant 0 : i32
    %dma_wait3A_164 = tpu.memref_slice %arg7[%dma_wait3A_161, %dma_wait3A_163] : memref<4x128xi32, #tpu.memory_space<vmem>> -> memref<1x128xi32, #tpu.memory_space<vmem>>
    %dma_wait3A_165 = tpu.memref_squeeze %dma_wait3A_164 : memref<1x128xi32, #tpu.memory_space<vmem>> -> memref<128xi32, #tpu.memory_space<vmem>>
    %dma_wait3A_166 = arith.constant 0 : i32
    %dma_wait3A_167 = tpu.memref_slice %arg6[%dma_wait3A_162, %dma_wait3A_166] : memref<4x128xi32, #tpu.memory_space<vmem>> -> memref<1x128xi32, #tpu.memory_space<vmem>>
    %dma_wait3A_168 = tpu.memref_squeeze %dma_wait3A_167 : memref<1x128xi32, #tpu.memory_space<vmem>> -> memref<128xi32, #tpu.memory_space<vmem>>
    %dma_wait3A_169 = arith.constant 0 : i32
    %dma_wait3A_170 = tpu.memref_slice %arg13[%dma_wait3A_169] : memref<9216xi32, #tpu.memory_space<vmem_shared>> -> memref<9216xi32, #tpu.memory_space<vmem_shared>>
    tpu.wait_indirect_dma semaphore(%arg15 : memref<!tpu.dma_semaphore, #tpu.memory_space<semaphore_mem>>) src(%dma_wait3A_165 : memref<128xi32, #tpu.memory_space<vmem>>) dst(%dma_wait3A_170 : memref<9216xi32, #tpu.memory_space<vmem_shared>>)
    %barrier3A_171 = arith.constant 0 : index
    tpu.barrier barrier_id(%barrier3A_171)
    "tpu.region"() ({
      %run_scoped3A = tpu.sem_alloc : memref<!tpu.dma_semaphore, #tpu.memory_space<semaphore_mem>>
      %dma_start3A_172 = arith.constant 0 : i32
      %dma_start3A_173 = tpu.memref_slice %arg4[%mul3A_2, %dma_start3A_172] : memref<9216x128xf32, #tpu.memory_space<hbm>> -> memref<288x128xf32, #tpu.memory_space<hbm>>
      %dma_start3A_174 = arith.constant 0 : i32
      %dma_start3A_175 = tpu.memref_slice %arg12[%mul3A_2, %dma_start3A_174] : memref<9216x128xf32, #tpu.memory_space<vmem_shared>> -> memref<288x128xf32, #tpu.memory_space<vmem_shared>>
      tpu.enqueue_dma source(%dma_start3A_175 : memref<288x128xf32, #tpu.memory_space<vmem_shared>>) target(%dma_start3A_173 : memref<288x128xf32, #tpu.memory_space<hbm>>) target_semaphore(%run_scoped3A : memref<!tpu.dma_semaphore, #tpu.memory_space<semaphore_mem>>)
      %dma_wait3A_176 = arith.constant 0 : i32
      %dma_wait3A_177 = tpu.memref_slice %arg4[%mul3A_2, %dma_wait3A_176] : memref<9216x128xf32, #tpu.memory_space<hbm>> -> memref<288x128xf32, #tpu.memory_space<hbm>>
      %dma_wait3A_178 = arith.constant 0 : i32
      %dma_wait3A_179 = tpu.memref_slice %arg12[%mul3A_2, %dma_wait3A_178] : memref<9216x128xf32, #tpu.memory_space<vmem_shared>> -> memref<288x128xf32, #tpu.memory_space<vmem_shared>>
      tpu.wait_dma2 semaphore(%run_scoped3A : memref<!tpu.dma_semaphore, #tpu.memory_space<semaphore_mem>>) src(%dma_wait3A_179 : memref<288x128xf32, #tpu.memory_space<vmem_shared>>) dst(%dma_wait3A_177 : memref<288x128xf32, #tpu.memory_space<hbm>>)
      tpu.yield
    }) : () -> ()
    "tpu.region"() ({
      %run_scoped3A = tpu.sem_alloc : memref<!tpu.dma_semaphore, #tpu.memory_space<semaphore_mem>>
      %dma_start3A_172 = tpu.memref_slice %arg13[%mul3A_2] : memref<9216xi32, #tpu.memory_space<vmem_shared>> -> memref<288xi32, #tpu.memory_space<vmem_shared>>
      %dma_start3A_173 = tpu.memref_slice %arg13[%mul3A_2] : memref<9216xi32, #tpu.memory_space<vmem_shared>> -> memref<288xi32, #tpu.memory_space<vmem_shared>>
      tpu.enqueue_dma source(%dma_start3A_173 : memref<288xi32, #tpu.memory_space<vmem_shared>>) target(%arg11 : memref<288xi32, #tpu.memory_space<vmem>>) target_semaphore(%run_scoped3A : memref<!tpu.dma_semaphore, #tpu.memory_space<semaphore_mem>>)
      %dma_wait3A_174 = tpu.memref_slice %arg13[%mul3A_2] : memref<9216xi32, #tpu.memory_space<vmem_shared>> -> memref<288xi32, #tpu.memory_space<vmem_shared>>
      %dma_wait3A_175 = tpu.memref_slice %arg13[%mul3A_2] : memref<9216xi32, #tpu.memory_space<vmem_shared>> -> memref<288xi32, #tpu.memory_space<vmem_shared>>
      tpu.wait_dma2 semaphore(%run_scoped3A : memref<!tpu.dma_semaphore, #tpu.memory_space<semaphore_mem>>) src(%dma_wait3A_175 : memref<288xi32, #tpu.memory_space<vmem_shared>>) dst(%arg11 : memref<288xi32, #tpu.memory_space<vmem>>)
      tpu.yield
    }) : () -> ()
    "tpu.region"() ({
      %run_scoped3A = tpu.sem_alloc : memref<!tpu.dma_semaphore, #tpu.memory_space<semaphore_mem>>
      %dma_start3A_172 = tpu.memref_slice %arg5[%mul3A_2] : memref<9216xi32, #tpu.memory_space<hbm>> -> memref<288xi32, #tpu.memory_space<hbm>>
      %dma_start3A_173 = tpu.memref_slice %arg5[%mul3A_2] : memref<9216xi32, #tpu.memory_space<hbm>> -> memref<288xi32, #tpu.memory_space<hbm>>
      tpu.enqueue_dma source(%arg11 : memref<288xi32, #tpu.memory_space<vmem>>) target(%dma_start3A_173 : memref<288xi32, #tpu.memory_space<hbm>>) target_semaphore(%run_scoped3A : memref<!tpu.dma_semaphore, #tpu.memory_space<semaphore_mem>>)
      %dma_wait3A_174 = tpu.memref_slice %arg5[%mul3A_2] : memref<9216xi32, #tpu.memory_space<hbm>> -> memref<288xi32, #tpu.memory_space<hbm>>
      %dma_wait3A_175 = tpu.memref_slice %arg5[%mul3A_2] : memref<9216xi32, #tpu.memory_space<hbm>> -> memref<288xi32, #tpu.memory_space<hbm>>
      tpu.wait_dma2 semaphore(%run_scoped3A : memref<!tpu.dma_semaphore, #tpu.memory_space<semaphore_mem>>) src(%arg11 : memref<288xi32, #tpu.memory_space<vmem>>) dst(%dma_wait3A_175 : memref<288xi32, #tpu.memory_space<hbm>>)
      tpu.yield
    }) : () -> ()
    return
  }
}

module attributes {stable_mosaic.version = 14 : i64} {
  func.func @_route_body(%arg0: memref<64x128xi32, #tpu.memory_space<vmem>>, %arg1: memref<64x128xi32, #tpu.memory_space<vmem>>, %arg2: memref<8x128xi32, #tpu.memory_space<vmem>>) attributes {dimension_semantics = [], scalar_prefetch = 0 : i64, scratch_operands = 0 : i64, tpu.core_type = #tpu.core_type<tc>} {
    %get3A = arith.constant 0 : index
    %get3A_0 = arith.constant 0 : index
    %get3A_1 = vector.load %arg0[%get3A, %get3A_0] : memref<64x128xi32, #tpu.memory_space<vmem>>, vector<64x128xi32>
    %iota3A = tpu.iota {dimensions = array<i32: 0>} : vector<128x128xi32>
    %iota3A_2 = tpu.iota {dimensions = array<i32: 1>} : vector<128x128xi32>
    %le3A = arith.cmpi sle, %iota3A, %iota3A_2 : vector<128x128xi32>
    %convert_element_type3A = arith.extui %le3A : vector<128x128xi1> to vector<128x128xi32>
    %convert_element_type3A_3 = arith.sitofp %convert_element_type3A : vector<128x128xi32> to vector<128x128xf32>
    %broadcast_in_dim3A = arith.constant 1.000000e+00 : f32
    %broadcast_in_dim3A_4 = vector.broadcast %broadcast_in_dim3A : f32 to vector<128x128xf32>
    %iota3A_5 = tpu.iota {dimensions = array<i32: 0>} : vector<64x64xi32>
    %iota3A_6 = tpu.iota {dimensions = array<i32: 1>} : vector<64x64xi32>
    %lt3A = arith.cmpi slt, %iota3A_6, %iota3A_5 : vector<64x64xi32>
    %convert_element_type3A_7 = arith.extui %lt3A : vector<64x64xi1> to vector<64x64xi32>
    %convert_element_type3A_8 = arith.sitofp %convert_element_type3A_7 : vector<64x64xi32> to vector<64x64xf32>
    %broadcast_in_dim3A_9 = arith.constant 0.000000e+00 : f32
    %broadcast_in_dim3A_10 = vector.broadcast %broadcast_in_dim3A_9 : f32 to vector<64x128xf32>
    %eq3A = arith.constant 0 : i32
    %eq3A_11 = vector.broadcast %eq3A : i32 to vector<64x128xi32>
    %eq3A_12 = arith.cmpi eq, %get3A_1, %eq3A_11 : vector<64x128xi32>
    %convert_element_type3A_13 = arith.extui %eq3A_12 : vector<64x128xi1> to vector<64x128xi32>
    %convert_element_type3A_14 = arith.sitofp %convert_element_type3A_13 : vector<64x128xi32> to vector<64x128xf32>
    %dot_general3A = arith.constant dense<0.000000e+00> : vector<64x128xf32>
    %dot_general3A_15 = tpu.matmul %convert_element_type3A_14, %convert_element_type3A_3, %dot_general3A {dimension_numbers = #tpu.dot_dimension_numbers<[1], [0], [0], [1], [0, 0, 1, 1], [], []>, transpose_lhs_hint = false} : vector<64x128xf32>, vector<128x128xf32>, vector<64x128xf32> -> vector<64x128xf32>
    %dot_general3A_16 = arith.constant dense<0.000000e+00> : vector<64x128xf32>
    %dot_general3A_17 = tpu.matmul %convert_element_type3A_14, %broadcast_in_dim3A_4, %dot_general3A_16 {dimension_numbers = #tpu.dot_dimension_numbers<[1], [0], [0], [1], [0, 0, 1, 1], [], []>, transpose_lhs_hint = false} : vector<64x128xf32>, vector<128x128xf32>, vector<64x128xf32> -> vector<64x128xf32>
    %dot_general3A_18 = arith.constant dense<0.000000e+00> : vector<64x128xf32>
    %dot_general3A_19 = tpu.matmul %convert_element_type3A_8, %dot_general3A_17, %dot_general3A_18 {dimension_numbers = #tpu.dot_dimension_numbers<[1], [0], [0], [1], [0, 0, 1, 1], [], []>, transpose_lhs_hint = false} : vector<64x64xf32>, vector<64x128xf32>, vector<64x128xf32> -> vector<64x128xf32>
    %add3A = arith.addf %dot_general3A_15, %dot_general3A_19 : vector<64x128xf32>
    %sub3A = arith.subf %add3A, %convert_element_type3A_14 : vector<64x128xf32>
    %convert_element_type3A_20 = arith.extui %eq3A_12 : vector<64x128xi1> to vector<64x128xi32>
    %reduce_sum3A = vector.shape_cast %convert_element_type3A_20 : vector<64x128xi32> to vector<1x64x128xi32>
    %reduce_sum3A_21 = arith.constant dense<0> : vector<1xi32>
    %reduce_sum3A_22 = vector.multi_reduction <add>, %reduce_sum3A, %reduce_sum3A_21 [1, 2] : vector<1x64x128xi32> to vector<1xi32>
    %reduce_sum3A_23 = vector.shape_cast %reduce_sum3A_22 : vector<1xi32> to vector<1x1x1xi32>
    %reduce_sum3A_24 = vector.extract %reduce_sum3A_23[0, 0, 0] : i32 from vector<1x1x1xi32>
    %add3A_25 = arith.constant 128 : i32
    %add3A_26 = arith.addi %reduce_sum3A_24, %add3A_25 : i32
    %sub3A_27 = arith.constant 1 : i32
    %sub3A_28 = arith.subi %add3A_26, %sub3A_27 : i32
    %jit3A = arith.constant 128 : i32
    %div3A = arith.divsi %sub3A_28, %jit3A : i32
    %sign3A = arith.constant 0 : i32
    %sign3A_29 = arith.cmpi sgt, %sub3A_28, %sign3A : i32
    %sign3A_30 = arith.extui %sign3A_29 : i1 to i32
    %sign3A_31 = arith.constant 0 : i32
    %sign3A_32 = arith.cmpi slt, %sub3A_28, %sign3A_31 : i32
    %sign3A_33 = arith.extui %sign3A_32 : i1 to i32
    %sign3A_34 = arith.subi %sign3A_30, %sign3A_33 : i32
    %sign3A_35 = arith.constant 0 : i32
    %sign3A_36 = arith.cmpi sgt, %jit3A, %sign3A_35 : i32
    %sign3A_37 = arith.extui %sign3A_36 : i1 to i32
    %sign3A_38 = arith.constant 0 : i32
    %sign3A_39 = arith.cmpi slt, %jit3A, %sign3A_38 : i32
    %sign3A_40 = arith.extui %sign3A_39 : i1 to i32
    %sign3A_41 = arith.subi %sign3A_37, %sign3A_40 : i32
    %ne3A = arith.cmpi ne, %sign3A_34, %sign3A_41 : i32
    %rem3A = arith.remsi %sub3A_28, %jit3A : i32
    %ne3A_42 = arith.constant 0 : i32
    %ne3A_43 = arith.cmpi ne, %rem3A, %ne3A_42 : i32
    %and3A = arith.andi %ne3A, %ne3A_43 : i1
    %sub3A_44 = arith.constant 1 : i32
    %sub3A_45 = arith.subi %div3A, %sub3A_44 : i32
    %select_n3A = arith.select %and3A, %sub3A_45, %div3A : i32
    %mul3A = arith.constant 128 : i32
    %mul3A_46 = arith.muli %select_n3A, %mul3A : i32
    %add3A_47 = arith.constant 0.000000e+00 : f32
    %add3A_48 = vector.broadcast %add3A_47 : f32 to vector<64x128xf32>
    %add3A_49 = arith.addf %sub3A, %add3A_48 : vector<64x128xf32>
    %mul3A_50 = arith.mulf %convert_element_type3A_14, %add3A_49 : vector<64x128xf32>
    %add3A_51 = arith.addf %broadcast_in_dim3A_10, %mul3A_50 : vector<64x128xf32>
    %add3A_52 = arith.constant 0 : i32
    %add3A_53 = arith.addi %add3A_52, %mul3A_46 : i32
    %eq3A_54 = arith.constant 1 : i32
    %eq3A_55 = vector.broadcast %eq3A_54 : i32 to vector<64x128xi32>
    %eq3A_56 = arith.cmpi eq, %get3A_1, %eq3A_55 : vector<64x128xi32>
    %convert_element_type3A_57 = arith.extui %eq3A_56 : vector<64x128xi1> to vector<64x128xi32>
    %convert_element_type3A_58 = arith.sitofp %convert_element_type3A_57 : vector<64x128xi32> to vector<64x128xf32>
    %dot_general3A_59 = arith.constant dense<0.000000e+00> : vector<64x128xf32>
    %dot_general3A_60 = tpu.matmul %convert_element_type3A_58, %convert_element_type3A_3, %dot_general3A_59 {dimension_numbers = #tpu.dot_dimension_numbers<[1], [0], [0], [1], [0, 0, 1, 1], [], []>, transpose_lhs_hint = false} : vector<64x128xf32>, vector<128x128xf32>, vector<64x128xf32> -> vector<64x128xf32>
    %dot_general3A_61 = arith.constant dense<0.000000e+00> : vector<64x128xf32>
    %dot_general3A_62 = tpu.matmul %convert_element_type3A_58, %broadcast_in_dim3A_4, %dot_general3A_61 {dimension_numbers = #tpu.dot_dimension_numbers<[1], [0], [0], [1], [0, 0, 1, 1], [], []>, transpose_lhs_hint = false} : vector<64x128xf32>, vector<128x128xf32>, vector<64x128xf32> -> vector<64x128xf32>
    %dot_general3A_63 = arith.constant dense<0.000000e+00> : vector<64x128xf32>
    %dot_general3A_64 = tpu.matmul %convert_element_type3A_8, %dot_general3A_62, %dot_general3A_63 {dimension_numbers = #tpu.dot_dimension_numbers<[1], [0], [0], [1], [0, 0, 1, 1], [], []>, transpose_lhs_hint = false} : vector<64x64xf32>, vector<64x128xf32>, vector<64x128xf32> -> vector<64x128xf32>
    %add3A_65 = arith.addf %dot_general3A_60, %dot_general3A_64 : vector<64x128xf32>
    %sub3A_66 = arith.subf %add3A_65, %convert_element_type3A_58 : vector<64x128xf32>
    %convert_element_type3A_67 = arith.extui %eq3A_56 : vector<64x128xi1> to vector<64x128xi32>
    %reduce_sum3A_68 = vector.shape_cast %convert_element_type3A_67 : vector<64x128xi32> to vector<1x64x128xi32>
    %reduce_sum3A_69 = arith.constant dense<0> : vector<1xi32>
    %reduce_sum3A_70 = vector.multi_reduction <add>, %reduce_sum3A_68, %reduce_sum3A_69 [1, 2] : vector<1x64x128xi32> to vector<1xi32>
    %reduce_sum3A_71 = vector.shape_cast %reduce_sum3A_70 : vector<1xi32> to vector<1x1x1xi32>
    %reduce_sum3A_72 = vector.extract %reduce_sum3A_71[0, 0, 0] : i32 from vector<1x1x1xi32>
    %add3A_73 = arith.constant 128 : i32
    %add3A_74 = arith.addi %reduce_sum3A_72, %add3A_73 : i32
    %sub3A_75 = arith.constant 1 : i32
    %sub3A_76 = arith.subi %add3A_74, %sub3A_75 : i32
    %jit3A_77 = arith.constant 128 : i32
    %div3A_78 = arith.divsi %sub3A_76, %jit3A_77 : i32
    %sign3A_79 = arith.constant 0 : i32
    %sign3A_80 = arith.cmpi sgt, %sub3A_76, %sign3A_79 : i32
    %sign3A_81 = arith.extui %sign3A_80 : i1 to i32
    %sign3A_82 = arith.constant 0 : i32
    %sign3A_83 = arith.cmpi slt, %sub3A_76, %sign3A_82 : i32
    %sign3A_84 = arith.extui %sign3A_83 : i1 to i32
    %sign3A_85 = arith.subi %sign3A_81, %sign3A_84 : i32
    %sign3A_86 = arith.constant 0 : i32
    %sign3A_87 = arith.cmpi sgt, %jit3A_77, %sign3A_86 : i32
    %sign3A_88 = arith.extui %sign3A_87 : i1 to i32
    %sign3A_89 = arith.constant 0 : i32
    %sign3A_90 = arith.cmpi slt, %jit3A_77, %sign3A_89 : i32
    %sign3A_91 = arith.extui %sign3A_90 : i1 to i32
    %sign3A_92 = arith.subi %sign3A_88, %sign3A_91 : i32
    %ne3A_93 = arith.cmpi ne, %sign3A_85, %sign3A_92 : i32
    %rem3A_94 = arith.remsi %sub3A_76, %jit3A_77 : i32
    %ne3A_95 = arith.constant 0 : i32
    %ne3A_96 = arith.cmpi ne, %rem3A_94, %ne3A_95 : i32
    %and3A_97 = arith.andi %ne3A_93, %ne3A_96 : i1
    %sub3A_98 = arith.constant 1 : i32
    %sub3A_99 = arith.subi %div3A_78, %sub3A_98 : i32
    %select_n3A_100 = arith.select %and3A_97, %sub3A_99, %div3A_78 : i32
    %mul3A_101 = arith.constant 128 : i32
    %mul3A_102 = arith.muli %select_n3A_100, %mul3A_101 : i32
    %convert_element_type3A_103 = arith.sitofp %add3A_53 : i32 to f32
    %add3A_104 = vector.broadcast %convert_element_type3A_103 : f32 to vector<64x128xf32>
    %add3A_105 = arith.addf %sub3A_66, %add3A_104 : vector<64x128xf32>
    %mul3A_106 = arith.mulf %convert_element_type3A_58, %add3A_105 : vector<64x128xf32>
    %add3A_107 = arith.addf %add3A_51, %mul3A_106 : vector<64x128xf32>
    %add3A_108 = arith.addi %add3A_53, %mul3A_102 : i32
    %eq3A_109 = arith.constant 2 : i32
    %eq3A_110 = vector.broadcast %eq3A_109 : i32 to vector<64x128xi32>
    %eq3A_111 = arith.cmpi eq, %get3A_1, %eq3A_110 : vector<64x128xi32>
    %convert_element_type3A_112 = arith.extui %eq3A_111 : vector<64x128xi1> to vector<64x128xi32>
    %convert_element_type3A_113 = arith.sitofp %convert_element_type3A_112 : vector<64x128xi32> to vector<64x128xf32>
    %dot_general3A_114 = arith.constant dense<0.000000e+00> : vector<64x128xf32>
    %dot_general3A_115 = tpu.matmul %convert_element_type3A_113, %convert_element_type3A_3, %dot_general3A_114 {dimension_numbers = #tpu.dot_dimension_numbers<[1], [0], [0], [1], [0, 0, 1, 1], [], []>, transpose_lhs_hint = false} : vector<64x128xf32>, vector<128x128xf32>, vector<64x128xf32> -> vector<64x128xf32>
    %dot_general3A_116 = arith.constant dense<0.000000e+00> : vector<64x128xf32>
    %dot_general3A_117 = tpu.matmul %convert_element_type3A_113, %broadcast_in_dim3A_4, %dot_general3A_116 {dimension_numbers = #tpu.dot_dimension_numbers<[1], [0], [0], [1], [0, 0, 1, 1], [], []>, transpose_lhs_hint = false} : vector<64x128xf32>, vector<128x128xf32>, vector<64x128xf32> -> vector<64x128xf32>
    %dot_general3A_118 = arith.constant dense<0.000000e+00> : vector<64x128xf32>
    %dot_general3A_119 = tpu.matmul %convert_element_type3A_8, %dot_general3A_117, %dot_general3A_118 {dimension_numbers = #tpu.dot_dimension_numbers<[1], [0], [0], [1], [0, 0, 1, 1], [], []>, transpose_lhs_hint = false} : vector<64x64xf32>, vector<64x128xf32>, vector<64x128xf32> -> vector<64x128xf32>
    %add3A_120 = arith.addf %dot_general3A_115, %dot_general3A_119 : vector<64x128xf32>
    %sub3A_121 = arith.subf %add3A_120, %convert_element_type3A_113 : vector<64x128xf32>
    %convert_element_type3A_122 = arith.extui %eq3A_111 : vector<64x128xi1> to vector<64x128xi32>
    %reduce_sum3A_123 = vector.shape_cast %convert_element_type3A_122 : vector<64x128xi32> to vector<1x64x128xi32>
    %reduce_sum3A_124 = arith.constant dense<0> : vector<1xi32>
    %reduce_sum3A_125 = vector.multi_reduction <add>, %reduce_sum3A_123, %reduce_sum3A_124 [1, 2] : vector<1x64x128xi32> to vector<1xi32>
    %reduce_sum3A_126 = vector.shape_cast %reduce_sum3A_125 : vector<1xi32> to vector<1x1x1xi32>
    %reduce_sum3A_127 = vector.extract %reduce_sum3A_126[0, 0, 0] : i32 from vector<1x1x1xi32>
    %add3A_128 = arith.constant 128 : i32
    %add3A_129 = arith.addi %reduce_sum3A_127, %add3A_128 : i32
    %sub3A_130 = arith.constant 1 : i32
    %sub3A_131 = arith.subi %add3A_129, %sub3A_130 : i32
    %jit3A_132 = arith.constant 128 : i32
    %div3A_133 = arith.divsi %sub3A_131, %jit3A_132 : i32
    %sign3A_134 = arith.constant 0 : i32
    %sign3A_135 = arith.cmpi sgt, %sub3A_131, %sign3A_134 : i32
    %sign3A_136 = arith.extui %sign3A_135 : i1 to i32
    %sign3A_137 = arith.constant 0 : i32
    %sign3A_138 = arith.cmpi slt, %sub3A_131, %sign3A_137 : i32
    %sign3A_139 = arith.extui %sign3A_138 : i1 to i32
    %sign3A_140 = arith.subi %sign3A_136, %sign3A_139 : i32
    %sign3A_141 = arith.constant 0 : i32
    %sign3A_142 = arith.cmpi sgt, %jit3A_132, %sign3A_141 : i32
    %sign3A_143 = arith.extui %sign3A_142 : i1 to i32
    %sign3A_144 = arith.constant 0 : i32
    %sign3A_145 = arith.cmpi slt, %jit3A_132, %sign3A_144 : i32
    %sign3A_146 = arith.extui %sign3A_145 : i1 to i32
    %sign3A_147 = arith.subi %sign3A_143, %sign3A_146 : i32
    %ne3A_148 = arith.cmpi ne, %sign3A_140, %sign3A_147 : i32
    %rem3A_149 = arith.remsi %sub3A_131, %jit3A_132 : i32
    %ne3A_150 = arith.constant 0 : i32
    %ne3A_151 = arith.cmpi ne, %rem3A_149, %ne3A_150 : i32
    %and3A_152 = arith.andi %ne3A_148, %ne3A_151 : i1
    %sub3A_153 = arith.constant 1 : i32
    %sub3A_154 = arith.subi %div3A_133, %sub3A_153 : i32
    %select_n3A_155 = arith.select %and3A_152, %sub3A_154, %div3A_133 : i32
    %mul3A_156 = arith.constant 128 : i32
    %mul3A_157 = arith.muli %select_n3A_155, %mul3A_156 : i32
    %convert_element_type3A_158 = arith.sitofp %add3A_108 : i32 to f32
    %add3A_159 = vector.broadcast %convert_element_type3A_158 : f32 to vector<64x128xf32>
    %add3A_160 = arith.addf %sub3A_121, %add3A_159 : vector<64x128xf32>
    %mul3A_161 = arith.mulf %convert_element_type3A_113, %add3A_160 : vector<64x128xf32>
    %add3A_162 = arith.addf %add3A_107, %mul3A_161 : vector<64x128xf32>
    %add3A_163 = arith.addi %add3A_108, %mul3A_157 : i32
    %eq3A_164 = arith.constant 3 : i32
    %eq3A_165 = vector.broadcast %eq3A_164 : i32 to vector<64x128xi32>
    %eq3A_166 = arith.cmpi eq, %get3A_1, %eq3A_165 : vector<64x128xi32>
    %convert_element_type3A_167 = arith.extui %eq3A_166 : vector<64x128xi1> to vector<64x128xi32>
    %convert_element_type3A_168 = arith.sitofp %convert_element_type3A_167 : vector<64x128xi32> to vector<64x128xf32>
    %dot_general3A_169 = arith.constant dense<0.000000e+00> : vector<64x128xf32>
    %dot_general3A_170 = tpu.matmul %convert_element_type3A_168, %convert_element_type3A_3, %dot_general3A_169 {dimension_numbers = #tpu.dot_dimension_numbers<[1], [0], [0], [1], [0, 0, 1, 1], [], []>, transpose_lhs_hint = false} : vector<64x128xf32>, vector<128x128xf32>, vector<64x128xf32> -> vector<64x128xf32>
    %dot_general3A_171 = arith.constant dense<0.000000e+00> : vector<64x128xf32>
    %dot_general3A_172 = tpu.matmul %convert_element_type3A_168, %broadcast_in_dim3A_4, %dot_general3A_171 {dimension_numbers = #tpu.dot_dimension_numbers<[1], [0], [0], [1], [0, 0, 1, 1], [], []>, transpose_lhs_hint = false} : vector<64x128xf32>, vector<128x128xf32>, vector<64x128xf32> -> vector<64x128xf32>
    %dot_general3A_173 = arith.constant dense<0.000000e+00> : vector<64x128xf32>
    %dot_general3A_174 = tpu.matmul %convert_element_type3A_8, %dot_general3A_172, %dot_general3A_173 {dimension_numbers = #tpu.dot_dimension_numbers<[1], [0], [0], [1], [0, 0, 1, 1], [], []>, transpose_lhs_hint = false} : vector<64x64xf32>, vector<64x128xf32>, vector<64x128xf32> -> vector<64x128xf32>
    %add3A_175 = arith.addf %dot_general3A_170, %dot_general3A_174 : vector<64x128xf32>
    %sub3A_176 = arith.subf %add3A_175, %convert_element_type3A_168 : vector<64x128xf32>
    %convert_element_type3A_177 = arith.extui %eq3A_166 : vector<64x128xi1> to vector<64x128xi32>
    %reduce_sum3A_178 = vector.shape_cast %convert_element_type3A_177 : vector<64x128xi32> to vector<1x64x128xi32>
    %reduce_sum3A_179 = arith.constant dense<0> : vector<1xi32>
    %reduce_sum3A_180 = vector.multi_reduction <add>, %reduce_sum3A_178, %reduce_sum3A_179 [1, 2] : vector<1x64x128xi32> to vector<1xi32>
    %reduce_sum3A_181 = vector.shape_cast %reduce_sum3A_180 : vector<1xi32> to vector<1x1x1xi32>
    %reduce_sum3A_182 = vector.extract %reduce_sum3A_181[0, 0, 0] : i32 from vector<1x1x1xi32>
    %add3A_183 = arith.constant 128 : i32
    %add3A_184 = arith.addi %reduce_sum3A_182, %add3A_183 : i32
    %sub3A_185 = arith.constant 1 : i32
    %sub3A_186 = arith.subi %add3A_184, %sub3A_185 : i32
    %jit3A_187 = arith.constant 128 : i32
    %div3A_188 = arith.divsi %sub3A_186, %jit3A_187 : i32
    %sign3A_189 = arith.constant 0 : i32
    %sign3A_190 = arith.cmpi sgt, %sub3A_186, %sign3A_189 : i32
    %sign3A_191 = arith.extui %sign3A_190 : i1 to i32
    %sign3A_192 = arith.constant 0 : i32
    %sign3A_193 = arith.cmpi slt, %sub3A_186, %sign3A_192 : i32
    %sign3A_194 = arith.extui %sign3A_193 : i1 to i32
    %sign3A_195 = arith.subi %sign3A_191, %sign3A_194 : i32
    %sign3A_196 = arith.constant 0 : i32
    %sign3A_197 = arith.cmpi sgt, %jit3A_187, %sign3A_196 : i32
    %sign3A_198 = arith.extui %sign3A_197 : i1 to i32
    %sign3A_199 = arith.constant 0 : i32
    %sign3A_200 = arith.cmpi slt, %jit3A_187, %sign3A_199 : i32
    %sign3A_201 = arith.extui %sign3A_200 : i1 to i32
    %sign3A_202 = arith.subi %sign3A_198, %sign3A_201 : i32
    %ne3A_203 = arith.cmpi ne, %sign3A_195, %sign3A_202 : i32
    %rem3A_204 = arith.remsi %sub3A_186, %jit3A_187 : i32
    %ne3A_205 = arith.constant 0 : i32
    %ne3A_206 = arith.cmpi ne, %rem3A_204, %ne3A_205 : i32
    %and3A_207 = arith.andi %ne3A_203, %ne3A_206 : i1
    %sub3A_208 = arith.constant 1 : i32
    %sub3A_209 = arith.subi %div3A_188, %sub3A_208 : i32
    %select_n3A_210 = arith.select %and3A_207, %sub3A_209, %div3A_188 : i32
    %mul3A_211 = arith.constant 128 : i32
    %mul3A_212 = arith.muli %select_n3A_210, %mul3A_211 : i32
    %convert_element_type3A_213 = arith.sitofp %add3A_163 : i32 to f32
    %add3A_214 = vector.broadcast %convert_element_type3A_213 : f32 to vector<64x128xf32>
    %add3A_215 = arith.addf %sub3A_176, %add3A_214 : vector<64x128xf32>
    %mul3A_216 = arith.mulf %convert_element_type3A_168, %add3A_215 : vector<64x128xf32>
    %add3A_217 = arith.addf %add3A_162, %mul3A_216 : vector<64x128xf32>
    %add3A_218 = arith.addi %add3A_163, %mul3A_212 : i32
    %eq3A_219 = arith.constant 4 : i32
    %eq3A_220 = vector.broadcast %eq3A_219 : i32 to vector<64x128xi32>
    %eq3A_221 = arith.cmpi eq, %get3A_1, %eq3A_220 : vector<64x128xi32>
    %convert_element_type3A_222 = arith.extui %eq3A_221 : vector<64x128xi1> to vector<64x128xi32>
    %convert_element_type3A_223 = arith.sitofp %convert_element_type3A_222 : vector<64x128xi32> to vector<64x128xf32>
    %dot_general3A_224 = arith.constant dense<0.000000e+00> : vector<64x128xf32>
    %dot_general3A_225 = tpu.matmul %convert_element_type3A_223, %convert_element_type3A_3, %dot_general3A_224 {dimension_numbers = #tpu.dot_dimension_numbers<[1], [0], [0], [1], [0, 0, 1, 1], [], []>, transpose_lhs_hint = false} : vector<64x128xf32>, vector<128x128xf32>, vector<64x128xf32> -> vector<64x128xf32>
    %dot_general3A_226 = arith.constant dense<0.000000e+00> : vector<64x128xf32>
    %dot_general3A_227 = tpu.matmul %convert_element_type3A_223, %broadcast_in_dim3A_4, %dot_general3A_226 {dimension_numbers = #tpu.dot_dimension_numbers<[1], [0], [0], [1], [0, 0, 1, 1], [], []>, transpose_lhs_hint = false} : vector<64x128xf32>, vector<128x128xf32>, vector<64x128xf32> -> vector<64x128xf32>
    %dot_general3A_228 = arith.constant dense<0.000000e+00> : vector<64x128xf32>
    %dot_general3A_229 = tpu.matmul %convert_element_type3A_8, %dot_general3A_227, %dot_general3A_228 {dimension_numbers = #tpu.dot_dimension_numbers<[1], [0], [0], [1], [0, 0, 1, 1], [], []>, transpose_lhs_hint = false} : vector<64x64xf32>, vector<64x128xf32>, vector<64x128xf32> -> vector<64x128xf32>
    %add3A_230 = arith.addf %dot_general3A_225, %dot_general3A_229 : vector<64x128xf32>
    %sub3A_231 = arith.subf %add3A_230, %convert_element_type3A_223 : vector<64x128xf32>
    %convert_element_type3A_232 = arith.extui %eq3A_221 : vector<64x128xi1> to vector<64x128xi32>
    %reduce_sum3A_233 = vector.shape_cast %convert_element_type3A_232 : vector<64x128xi32> to vector<1x64x128xi32>
    %reduce_sum3A_234 = arith.constant dense<0> : vector<1xi32>
    %reduce_sum3A_235 = vector.multi_reduction <add>, %reduce_sum3A_233, %reduce_sum3A_234 [1, 2] : vector<1x64x128xi32> to vector<1xi32>
    %reduce_sum3A_236 = vector.shape_cast %reduce_sum3A_235 : vector<1xi32> to vector<1x1x1xi32>
    %reduce_sum3A_237 = vector.extract %reduce_sum3A_236[0, 0, 0] : i32 from vector<1x1x1xi32>
    %add3A_238 = arith.constant 128 : i32
    %add3A_239 = arith.addi %reduce_sum3A_237, %add3A_238 : i32
    %sub3A_240 = arith.constant 1 : i32
    %sub3A_241 = arith.subi %add3A_239, %sub3A_240 : i32
    %jit3A_242 = arith.constant 128 : i32
    %div3A_243 = arith.divsi %sub3A_241, %jit3A_242 : i32
    %sign3A_244 = arith.constant 0 : i32
    %sign3A_245 = arith.cmpi sgt, %sub3A_241, %sign3A_244 : i32
    %sign3A_246 = arith.extui %sign3A_245 : i1 to i32
    %sign3A_247 = arith.constant 0 : i32
    %sign3A_248 = arith.cmpi slt, %sub3A_241, %sign3A_247 : i32
    %sign3A_249 = arith.extui %sign3A_248 : i1 to i32
    %sign3A_250 = arith.subi %sign3A_246, %sign3A_249 : i32
    %sign3A_251 = arith.constant 0 : i32
    %sign3A_252 = arith.cmpi sgt, %jit3A_242, %sign3A_251 : i32
    %sign3A_253 = arith.extui %sign3A_252 : i1 to i32
    %sign3A_254 = arith.constant 0 : i32
    %sign3A_255 = arith.cmpi slt, %jit3A_242, %sign3A_254 : i32
    %sign3A_256 = arith.extui %sign3A_255 : i1 to i32
    %sign3A_257 = arith.subi %sign3A_253, %sign3A_256 : i32
    %ne3A_258 = arith.cmpi ne, %sign3A_250, %sign3A_257 : i32
    %rem3A_259 = arith.remsi %sub3A_241, %jit3A_242 : i32
    %ne3A_260 = arith.constant 0 : i32
    %ne3A_261 = arith.cmpi ne, %rem3A_259, %ne3A_260 : i32
    %and3A_262 = arith.andi %ne3A_258, %ne3A_261 : i1
    %sub3A_263 = arith.constant 1 : i32
    %sub3A_264 = arith.subi %div3A_243, %sub3A_263 : i32
    %select_n3A_265 = arith.select %and3A_262, %sub3A_264, %div3A_243 : i32
    %mul3A_266 = arith.constant 128 : i32
    %mul3A_267 = arith.muli %select_n3A_265, %mul3A_266 : i32
    %convert_element_type3A_268 = arith.sitofp %add3A_218 : i32 to f32
    %add3A_269 = vector.broadcast %convert_element_type3A_268 : f32 to vector<64x128xf32>
    %add3A_270 = arith.addf %sub3A_231, %add3A_269 : vector<64x128xf32>
    %mul3A_271 = arith.mulf %convert_element_type3A_223, %add3A_270 : vector<64x128xf32>
    %add3A_272 = arith.addf %add3A_217, %mul3A_271 : vector<64x128xf32>
    %add3A_273 = arith.addi %add3A_218, %mul3A_267 : i32
    %eq3A_274 = arith.constant 5 : i32
    %eq3A_275 = vector.broadcast %eq3A_274 : i32 to vector<64x128xi32>
    %eq3A_276 = arith.cmpi eq, %get3A_1, %eq3A_275 : vector<64x128xi32>
    %convert_element_type3A_277 = arith.extui %eq3A_276 : vector<64x128xi1> to vector<64x128xi32>
    %convert_element_type3A_278 = arith.sitofp %convert_element_type3A_277 : vector<64x128xi32> to vector<64x128xf32>
    %dot_general3A_279 = arith.constant dense<0.000000e+00> : vector<64x128xf32>
    %dot_general3A_280 = tpu.matmul %convert_element_type3A_278, %convert_element_type3A_3, %dot_general3A_279 {dimension_numbers = #tpu.dot_dimension_numbers<[1], [0], [0], [1], [0, 0, 1, 1], [], []>, transpose_lhs_hint = false} : vector<64x128xf32>, vector<128x128xf32>, vector<64x128xf32> -> vector<64x128xf32>
    %dot_general3A_281 = arith.constant dense<0.000000e+00> : vector<64x128xf32>
    %dot_general3A_282 = tpu.matmul %convert_element_type3A_278, %broadcast_in_dim3A_4, %dot_general3A_281 {dimension_numbers = #tpu.dot_dimension_numbers<[1], [0], [0], [1], [0, 0, 1, 1], [], []>, transpose_lhs_hint = false} : vector<64x128xf32>, vector<128x128xf32>, vector<64x128xf32> -> vector<64x128xf32>
    %dot_general3A_283 = arith.constant dense<0.000000e+00> : vector<64x128xf32>
    %dot_general3A_284 = tpu.matmul %convert_element_type3A_8, %dot_general3A_282, %dot_general3A_283 {dimension_numbers = #tpu.dot_dimension_numbers<[1], [0], [0], [1], [0, 0, 1, 1], [], []>, transpose_lhs_hint = false} : vector<64x64xf32>, vector<64x128xf32>, vector<64x128xf32> -> vector<64x128xf32>
    %add3A_285 = arith.addf %dot_general3A_280, %dot_general3A_284 : vector<64x128xf32>
    %sub3A_286 = arith.subf %add3A_285, %convert_element_type3A_278 : vector<64x128xf32>
    %convert_element_type3A_287 = arith.extui %eq3A_276 : vector<64x128xi1> to vector<64x128xi32>
    %reduce_sum3A_288 = vector.shape_cast %convert_element_type3A_287 : vector<64x128xi32> to vector<1x64x128xi32>
    %reduce_sum3A_289 = arith.constant dense<0> : vector<1xi32>
    %reduce_sum3A_290 = vector.multi_reduction <add>, %reduce_sum3A_288, %reduce_sum3A_289 [1, 2] : vector<1x64x128xi32> to vector<1xi32>
    %reduce_sum3A_291 = vector.shape_cast %reduce_sum3A_290 : vector<1xi32> to vector<1x1x1xi32>
    %reduce_sum3A_292 = vector.extract %reduce_sum3A_291[0, 0, 0] : i32 from vector<1x1x1xi32>
    %add3A_293 = arith.constant 128 : i32
    %add3A_294 = arith.addi %reduce_sum3A_292, %add3A_293 : i32
    %sub3A_295 = arith.constant 1 : i32
    %sub3A_296 = arith.subi %add3A_294, %sub3A_295 : i32
    %jit3A_297 = arith.constant 128 : i32
    %div3A_298 = arith.divsi %sub3A_296, %jit3A_297 : i32
    %sign3A_299 = arith.constant 0 : i32
    %sign3A_300 = arith.cmpi sgt, %sub3A_296, %sign3A_299 : i32
    %sign3A_301 = arith.extui %sign3A_300 : i1 to i32
    %sign3A_302 = arith.constant 0 : i32
    %sign3A_303 = arith.cmpi slt, %sub3A_296, %sign3A_302 : i32
    %sign3A_304 = arith.extui %sign3A_303 : i1 to i32
    %sign3A_305 = arith.subi %sign3A_301, %sign3A_304 : i32
    %sign3A_306 = arith.constant 0 : i32
    %sign3A_307 = arith.cmpi sgt, %jit3A_297, %sign3A_306 : i32
    %sign3A_308 = arith.extui %sign3A_307 : i1 to i32
    %sign3A_309 = arith.constant 0 : i32
    %sign3A_310 = arith.cmpi slt, %jit3A_297, %sign3A_309 : i32
    %sign3A_311 = arith.extui %sign3A_310 : i1 to i32
    %sign3A_312 = arith.subi %sign3A_308, %sign3A_311 : i32
    %ne3A_313 = arith.cmpi ne, %sign3A_305, %sign3A_312 : i32
    %rem3A_314 = arith.remsi %sub3A_296, %jit3A_297 : i32
    %ne3A_315 = arith.constant 0 : i32
    %ne3A_316 = arith.cmpi ne, %rem3A_314, %ne3A_315 : i32
    %and3A_317 = arith.andi %ne3A_313, %ne3A_316 : i1
    %sub3A_318 = arith.constant 1 : i32
    %sub3A_319 = arith.subi %div3A_298, %sub3A_318 : i32
    %select_n3A_320 = arith.select %and3A_317, %sub3A_319, %div3A_298 : i32
    %mul3A_321 = arith.constant 128 : i32
    %mul3A_322 = arith.muli %select_n3A_320, %mul3A_321 : i32
    %convert_element_type3A_323 = arith.sitofp %add3A_273 : i32 to f32
    %add3A_324 = vector.broadcast %convert_element_type3A_323 : f32 to vector<64x128xf32>
    %add3A_325 = arith.addf %sub3A_286, %add3A_324 : vector<64x128xf32>
    %mul3A_326 = arith.mulf %convert_element_type3A_278, %add3A_325 : vector<64x128xf32>
    %add3A_327 = arith.addf %add3A_272, %mul3A_326 : vector<64x128xf32>
    %add3A_328 = arith.addi %add3A_273, %mul3A_322 : i32
    %eq3A_329 = arith.constant 6 : i32
    %eq3A_330 = vector.broadcast %eq3A_329 : i32 to vector<64x128xi32>
    %eq3A_331 = arith.cmpi eq, %get3A_1, %eq3A_330 : vector<64x128xi32>
    %convert_element_type3A_332 = arith.extui %eq3A_331 : vector<64x128xi1> to vector<64x128xi32>
    %convert_element_type3A_333 = arith.sitofp %convert_element_type3A_332 : vector<64x128xi32> to vector<64x128xf32>
    %dot_general3A_334 = arith.constant dense<0.000000e+00> : vector<64x128xf32>
    %dot_general3A_335 = tpu.matmul %convert_element_type3A_333, %convert_element_type3A_3, %dot_general3A_334 {dimension_numbers = #tpu.dot_dimension_numbers<[1], [0], [0], [1], [0, 0, 1, 1], [], []>, transpose_lhs_hint = false} : vector<64x128xf32>, vector<128x128xf32>, vector<64x128xf32> -> vector<64x128xf32>
    %dot_general3A_336 = arith.constant dense<0.000000e+00> : vector<64x128xf32>
    %dot_general3A_337 = tpu.matmul %convert_element_type3A_333, %broadcast_in_dim3A_4, %dot_general3A_336 {dimension_numbers = #tpu.dot_dimension_numbers<[1], [0], [0], [1], [0, 0, 1, 1], [], []>, transpose_lhs_hint = false} : vector<64x128xf32>, vector<128x128xf32>, vector<64x128xf32> -> vector<64x128xf32>
    %dot_general3A_338 = arith.constant dense<0.000000e+00> : vector<64x128xf32>
    %dot_general3A_339 = tpu.matmul %convert_element_type3A_8, %dot_general3A_337, %dot_general3A_338 {dimension_numbers = #tpu.dot_dimension_numbers<[1], [0], [0], [1], [0, 0, 1, 1], [], []>, transpose_lhs_hint = false} : vector<64x64xf32>, vector<64x128xf32>, vector<64x128xf32> -> vector<64x128xf32>
    %add3A_340 = arith.addf %dot_general3A_335, %dot_general3A_339 : vector<64x128xf32>
    %sub3A_341 = arith.subf %add3A_340, %convert_element_type3A_333 : vector<64x128xf32>
    %convert_element_type3A_342 = arith.extui %eq3A_331 : vector<64x128xi1> to vector<64x128xi32>
    %reduce_sum3A_343 = vector.shape_cast %convert_element_type3A_342 : vector<64x128xi32> to vector<1x64x128xi32>
    %reduce_sum3A_344 = arith.constant dense<0> : vector<1xi32>
    %reduce_sum3A_345 = vector.multi_reduction <add>, %reduce_sum3A_343, %reduce_sum3A_344 [1, 2] : vector<1x64x128xi32> to vector<1xi32>
    %reduce_sum3A_346 = vector.shape_cast %reduce_sum3A_345 : vector<1xi32> to vector<1x1x1xi32>
    %reduce_sum3A_347 = vector.extract %reduce_sum3A_346[0, 0, 0] : i32 from vector<1x1x1xi32>
    %add3A_348 = arith.constant 128 : i32
    %add3A_349 = arith.addi %reduce_sum3A_347, %add3A_348 : i32
    %sub3A_350 = arith.constant 1 : i32
    %sub3A_351 = arith.subi %add3A_349, %sub3A_350 : i32
    %jit3A_352 = arith.constant 128 : i32
    %div3A_353 = arith.divsi %sub3A_351, %jit3A_352 : i32
    %sign3A_354 = arith.constant 0 : i32
    %sign3A_355 = arith.cmpi sgt, %sub3A_351, %sign3A_354 : i32
    %sign3A_356 = arith.extui %sign3A_355 : i1 to i32
    %sign3A_357 = arith.constant 0 : i32
    %sign3A_358 = arith.cmpi slt, %sub3A_351, %sign3A_357 : i32
    %sign3A_359 = arith.extui %sign3A_358 : i1 to i32
    %sign3A_360 = arith.subi %sign3A_356, %sign3A_359 : i32
    %sign3A_361 = arith.constant 0 : i32
    %sign3A_362 = arith.cmpi sgt, %jit3A_352, %sign3A_361 : i32
    %sign3A_363 = arith.extui %sign3A_362 : i1 to i32
    %sign3A_364 = arith.constant 0 : i32
    %sign3A_365 = arith.cmpi slt, %jit3A_352, %sign3A_364 : i32
    %sign3A_366 = arith.extui %sign3A_365 : i1 to i32
    %sign3A_367 = arith.subi %sign3A_363, %sign3A_366 : i32
    %ne3A_368 = arith.cmpi ne, %sign3A_360, %sign3A_367 : i32
    %rem3A_369 = arith.remsi %sub3A_351, %jit3A_352 : i32
    %ne3A_370 = arith.constant 0 : i32
    %ne3A_371 = arith.cmpi ne, %rem3A_369, %ne3A_370 : i32
    %and3A_372 = arith.andi %ne3A_368, %ne3A_371 : i1
    %sub3A_373 = arith.constant 1 : i32
    %sub3A_374 = arith.subi %div3A_353, %sub3A_373 : i32
    %select_n3A_375 = arith.select %and3A_372, %sub3A_374, %div3A_353 : i32
    %mul3A_376 = arith.constant 128 : i32
    %mul3A_377 = arith.muli %select_n3A_375, %mul3A_376 : i32
    %convert_element_type3A_378 = arith.sitofp %add3A_328 : i32 to f32
    %add3A_379 = vector.broadcast %convert_element_type3A_378 : f32 to vector<64x128xf32>
    %add3A_380 = arith.addf %sub3A_341, %add3A_379 : vector<64x128xf32>
    %mul3A_381 = arith.mulf %convert_element_type3A_333, %add3A_380 : vector<64x128xf32>
    %add3A_382 = arith.addf %add3A_327, %mul3A_381 : vector<64x128xf32>
    %add3A_383 = arith.addi %add3A_328, %mul3A_377 : i32
    %eq3A_384 = arith.constant 7 : i32
    %eq3A_385 = vector.broadcast %eq3A_384 : i32 to vector<64x128xi32>
    %eq3A_386 = arith.cmpi eq, %get3A_1, %eq3A_385 : vector<64x128xi32>
    %convert_element_type3A_387 = arith.extui %eq3A_386 : vector<64x128xi1> to vector<64x128xi32>
    %convert_element_type3A_388 = arith.sitofp %convert_element_type3A_387 : vector<64x128xi32> to vector<64x128xf32>
    %dot_general3A_389 = arith.constant dense<0.000000e+00> : vector<64x128xf32>
    %dot_general3A_390 = tpu.matmul %convert_element_type3A_388, %convert_element_type3A_3, %dot_general3A_389 {dimension_numbers = #tpu.dot_dimension_numbers<[1], [0], [0], [1], [0, 0, 1, 1], [], []>, transpose_lhs_hint = false} : vector<64x128xf32>, vector<128x128xf32>, vector<64x128xf32> -> vector<64x128xf32>
    %dot_general3A_391 = arith.constant dense<0.000000e+00> : vector<64x128xf32>
    %dot_general3A_392 = tpu.matmul %convert_element_type3A_388, %broadcast_in_dim3A_4, %dot_general3A_391 {dimension_numbers = #tpu.dot_dimension_numbers<[1], [0], [0], [1], [0, 0, 1, 1], [], []>, transpose_lhs_hint = false} : vector<64x128xf32>, vector<128x128xf32>, vector<64x128xf32> -> vector<64x128xf32>
    %dot_general3A_393 = arith.constant dense<0.000000e+00> : vector<64x128xf32>
    %dot_general3A_394 = tpu.matmul %convert_element_type3A_8, %dot_general3A_392, %dot_general3A_393 {dimension_numbers = #tpu.dot_dimension_numbers<[1], [0], [0], [1], [0, 0, 1, 1], [], []>, transpose_lhs_hint = false} : vector<64x64xf32>, vector<64x128xf32>, vector<64x128xf32> -> vector<64x128xf32>
    %add3A_395 = arith.addf %dot_general3A_390, %dot_general3A_394 : vector<64x128xf32>
    %sub3A_396 = arith.subf %add3A_395, %convert_element_type3A_388 : vector<64x128xf32>
    %convert_element_type3A_397 = arith.extui %eq3A_386 : vector<64x128xi1> to vector<64x128xi32>
    %reduce_sum3A_398 = vector.shape_cast %convert_element_type3A_397 : vector<64x128xi32> to vector<1x64x128xi32>
    %reduce_sum3A_399 = arith.constant dense<0> : vector<1xi32>
    %reduce_sum3A_400 = vector.multi_reduction <add>, %reduce_sum3A_398, %reduce_sum3A_399 [1, 2] : vector<1x64x128xi32> to vector<1xi32>
    %reduce_sum3A_401 = vector.shape_cast %reduce_sum3A_400 : vector<1xi32> to vector<1x1x1xi32>
    %reduce_sum3A_402 = vector.extract %reduce_sum3A_401[0, 0, 0] : i32 from vector<1x1x1xi32>
    %add3A_403 = arith.constant 128 : i32
    %add3A_404 = arith.addi %reduce_sum3A_402, %add3A_403 : i32
    %sub3A_405 = arith.constant 1 : i32
    %sub3A_406 = arith.subi %add3A_404, %sub3A_405 : i32
    %jit3A_407 = arith.constant 128 : i32
    %div3A_408 = arith.divsi %sub3A_406, %jit3A_407 : i32
    %sign3A_409 = arith.constant 0 : i32
    %sign3A_410 = arith.cmpi sgt, %sub3A_406, %sign3A_409 : i32
    %sign3A_411 = arith.extui %sign3A_410 : i1 to i32
    %sign3A_412 = arith.constant 0 : i32
    %sign3A_413 = arith.cmpi slt, %sub3A_406, %sign3A_412 : i32
    %sign3A_414 = arith.extui %sign3A_413 : i1 to i32
    %sign3A_415 = arith.subi %sign3A_411, %sign3A_414 : i32
    %sign3A_416 = arith.constant 0 : i32
    %sign3A_417 = arith.cmpi sgt, %jit3A_407, %sign3A_416 : i32
    %sign3A_418 = arith.extui %sign3A_417 : i1 to i32
    %sign3A_419 = arith.constant 0 : i32
    %sign3A_420 = arith.cmpi slt, %jit3A_407, %sign3A_419 : i32
    %sign3A_421 = arith.extui %sign3A_420 : i1 to i32
    %sign3A_422 = arith.subi %sign3A_418, %sign3A_421 : i32
    %ne3A_423 = arith.cmpi ne, %sign3A_415, %sign3A_422 : i32
    %rem3A_424 = arith.remsi %sub3A_406, %jit3A_407 : i32
    %ne3A_425 = arith.constant 0 : i32
    %ne3A_426 = arith.cmpi ne, %rem3A_424, %ne3A_425 : i32
    %and3A_427 = arith.andi %ne3A_423, %ne3A_426 : i1
    %sub3A_428 = arith.constant 1 : i32
    %sub3A_429 = arith.subi %div3A_408, %sub3A_428 : i32
    %select_n3A_430 = arith.select %and3A_427, %sub3A_429, %div3A_408 : i32
    %mul3A_431 = arith.constant 128 : i32
    %mul3A_432 = arith.muli %select_n3A_430, %mul3A_431 : i32
    %convert_element_type3A_433 = arith.sitofp %add3A_383 : i32 to f32
    %add3A_434 = vector.broadcast %convert_element_type3A_433 : f32 to vector<64x128xf32>
    %add3A_435 = arith.addf %sub3A_396, %add3A_434 : vector<64x128xf32>
    %mul3A_436 = arith.mulf %convert_element_type3A_388, %add3A_435 : vector<64x128xf32>
    %add3A_437 = arith.addf %add3A_382, %mul3A_436 : vector<64x128xf32>
    %add3A_438 = arith.addi %add3A_383, %mul3A_432 : i32
    %convert_element_type3A_439 = arith.fptosi %add3A_437 : vector<64x128xf32> to vector<64x128xi32>
    %swap3A = arith.constant 0 : index
    %swap3A_440 = arith.constant 0 : index
    %swap3A_441 = vector.load %arg1[%swap3A, %swap3A_440] : memref<64x128xi32, #tpu.memory_space<vmem>>, vector<64x128xi32>
    tpu.vector_store %arg1[%swap3A, %swap3A_440], %convert_element_type3A_439 {strides = array<i32>} : memref<64x128xi32, #tpu.memory_space<vmem>>, vector<64x128xi32>,
    %iota3A_442 = tpu.iota {dimensions = array<i32: 1>} : vector<8x128xi32>
    %mul3A_443 = arith.constant 128 : i32
    %mul3A_444 = vector.broadcast %mul3A_443 : i32 to vector<8x128xi32>
    %mul3A_445 = arith.muli %iota3A_442, %mul3A_444 : vector<8x128xi32>
    %broadcast_in_dim3A_446 = arith.constant 0 : i32
    %broadcast_in_dim3A_447 = vector.broadcast %broadcast_in_dim3A_446 : i32 to vector<8x128xi32>
    %ge3A = vector.broadcast %add3A_53 : i32 to vector<8x128xi32>
    %ge3A_448 = arith.cmpi sge, %mul3A_445, %ge3A : vector<8x128xi32>
    %convert_element_type3A_449 = arith.extui %ge3A_448 : vector<8x128xi1> to vector<8x128xi32>
    %add3A_450 = arith.addi %broadcast_in_dim3A_447, %convert_element_type3A_449 : vector<8x128xi32>
    %ge3A_451 = vector.broadcast %add3A_108 : i32 to vector<8x128xi32>
    %ge3A_452 = arith.cmpi sge, %mul3A_445, %ge3A_451 : vector<8x128xi32>
    %convert_element_type3A_453 = arith.extui %ge3A_452 : vector<8x128xi1> to vector<8x128xi32>
    %add3A_454 = arith.addi %add3A_450, %convert_element_type3A_453 : vector<8x128xi32>
    %ge3A_455 = vector.broadcast %add3A_163 : i32 to vector<8x128xi32>
    %ge3A_456 = arith.cmpi sge, %mul3A_445, %ge3A_455 : vector<8x128xi32>
    %convert_element_type3A_457 = arith.extui %ge3A_456 : vector<8x128xi1> to vector<8x128xi32>
    %add3A_458 = arith.addi %add3A_454, %convert_element_type3A_457 : vector<8x128xi32>
    %ge3A_459 = vector.broadcast %add3A_218 : i32 to vector<8x128xi32>
    %ge3A_460 = arith.cmpi sge, %mul3A_445, %ge3A_459 : vector<8x128xi32>
    %convert_element_type3A_461 = arith.extui %ge3A_460 : vector<8x128xi1> to vector<8x128xi32>
    %add3A_462 = arith.addi %add3A_458, %convert_element_type3A_461 : vector<8x128xi32>
    %ge3A_463 = vector.broadcast %add3A_273 : i32 to vector<8x128xi32>
    %ge3A_464 = arith.cmpi sge, %mul3A_445, %ge3A_463 : vector<8x128xi32>
    %convert_element_type3A_465 = arith.extui %ge3A_464 : vector<8x128xi1> to vector<8x128xi32>
    %add3A_466 = arith.addi %add3A_462, %convert_element_type3A_465 : vector<8x128xi32>
    %ge3A_467 = vector.broadcast %add3A_328 : i32 to vector<8x128xi32>
    %ge3A_468 = arith.cmpi sge, %mul3A_445, %ge3A_467 : vector<8x128xi32>
    %convert_element_type3A_469 = arith.extui %ge3A_468 : vector<8x128xi1> to vector<8x128xi32>
    %add3A_470 = arith.addi %add3A_466, %convert_element_type3A_469 : vector<8x128xi32>
    %ge3A_471 = vector.broadcast %add3A_383 : i32 to vector<8x128xi32>
    %ge3A_472 = arith.cmpi sge, %mul3A_445, %ge3A_471 : vector<8x128xi32>
    %convert_element_type3A_473 = arith.extui %ge3A_472 : vector<8x128xi1> to vector<8x128xi32>
    %add3A_474 = arith.addi %add3A_470, %convert_element_type3A_473 : vector<8x128xi32>
    %ge3A_475 = vector.broadcast %add3A_438 : i32 to vector<8x128xi32>
    %ge3A_476 = arith.cmpi sge, %mul3A_445, %ge3A_475 : vector<8x128xi32>
    %convert_element_type3A_477 = arith.extui %ge3A_476 : vector<8x128xi1> to vector<8x128xi32>
    %add3A_478 = arith.addi %add3A_474, %convert_element_type3A_477 : vector<8x128xi32>
    %min3A = arith.constant 7 : i32
    %min3A_479 = vector.broadcast %min3A : i32 to vector<8x128xi32>
    %min3A_480 = arith.minsi %add3A_478, %min3A_479 : vector<8x128xi32>
    %swap3A_481 = arith.constant 0 : index
    %swap3A_482 = arith.constant 0 : index
    %swap3A_483 = vector.load %arg2[%swap3A_481, %swap3A_482] : memref<8x128xi32, #tpu.memory_space<vmem>>, vector<8x128xi32>
    tpu.vector_store %arg2[%swap3A_481, %swap3A_482], %min3A_480 {strides = array<i32>} : memref<8x128xi32, #tpu.memory_space<vmem>>, vector<8x128xi32>,
    return
  }
}

module attributes {stable_mosaic.version = 14 : i64} {
  func.func @_mlp_body(%arg0: i32, %arg1: memref<72xi32, #tpu.memory_space<smem>>, %arg2: memref<1024x128xf32, #tpu.memory_space<vmem>>, %arg3: memref<1024x1xi32, #tpu.memory_space<vmem>>, %arg4: memref<1x128x256xf32, #tpu.memory_space<vmem>>, %arg5: memref<1x256x256xf32, #tpu.memory_space<vmem>>, %arg6: memref<1x8x256xf32, #tpu.memory_space<vmem>>, %arg7: memref<1x128x256xf32, #tpu.memory_space<vmem>>, %arg8: memref<1x256x256xf32, #tpu.memory_space<vmem>>, %arg9: memref<1x8x256xf32, #tpu.memory_space<vmem>>, %arg10: memref<1x128x256xf32, #tpu.memory_space<vmem>>, %arg11: memref<1x256x256xf32, #tpu.memory_space<vmem>>, %arg12: memref<1x8x256xf32, #tpu.memory_space<vmem>>, %arg13: memref<1x128x256xf32, #tpu.memory_space<vmem>>, %arg14: memref<1x256x256xf32, #tpu.memory_space<vmem>>, %arg15: memref<1x8x256xf32, #tpu.memory_space<vmem>>, %arg16: memref<1x128x256xf32, #tpu.memory_space<vmem>>, %arg17: memref<1x256x256xf32, #tpu.memory_space<vmem>>, %arg18: memref<1x8x256xf32, #tpu.memory_space<vmem>>, %arg19: memref<1x128x256xf32, #tpu.memory_space<vmem>>, %arg20: memref<1x256x256xf32, #tpu.memory_space<vmem>>, %arg21: memref<1x8x256xf32, #tpu.memory_space<vmem>>, %arg22: memref<1x128x256xf32, #tpu.memory_space<vmem>>, %arg23: memref<1x256x256xf32, #tpu.memory_space<vmem>>, %arg24: memref<1x8x256xf32, #tpu.memory_space<vmem>>, %arg25: memref<1x128x256xf32, #tpu.memory_space<vmem>>, %arg26: memref<1x256x256xf32, #tpu.memory_space<vmem>>, %arg27: memref<1x8x256xf32, #tpu.memory_space<vmem>>, %arg28: memref<8x16xf32, #tpu.memory_space<vmem>>) attributes {dimension_semantics = [#tpu.dimension_semantics<arbitrary>], iteration_bounds = array<i64: 9>, scalar_prefetch = 1 : i64, scratch_operands = 0 : i64, tpu.core_type = #tpu.core_type<tc>, window_params = [{transform_indices = @transform_0, window_bounds = array<i64: 1024, 128>}, {transform_indices = @transform_1, window_bounds = array<i64: 1024, 1>}, {transform_indices = @transform_2, window_bounds = array<i64: 1, 128, 256>}, {transform_indices = @transform_3, window_bounds = array<i64: 1, 256, 256>}, {transform_indices = @transform_4, window_bounds = array<i64: 1, 8, 256>}, {transform_indices = @transform_5, window_bounds = array<i64: 1, 128, 256>}, {transform_indices = @transform_6, window_bounds = array<i64: 1, 256, 256>}, {transform_indices = @transform_7, window_bounds = array<i64: 1, 8, 256>}, {transform_indices = @transform_8, window_bounds = array<i64: 1, 128, 256>}, {transform_indices = @transform_9, window_bounds = array<i64: 1, 256, 256>}, {transform_indices = @transform_10, window_bounds = array<i64: 1, 8, 256>}, {transform_indices = @transform_11, window_bounds = array<i64: 1, 128, 256>}, {transform_indices = @transform_12, window_bounds = array<i64: 1, 256, 256>}, {transform_indices = @transform_13, window_bounds = array<i64: 1, 8, 256>}, {transform_indices = @transform_14, window_bounds = array<i64: 1, 128, 256>}, {transform_indices = @transform_15, window_bounds = array<i64: 1, 256, 256>}, {transform_indices = @transform_16, window_bounds = array<i64: 1, 8, 256>}, {transform_indices = @transform_17, window_bounds = array<i64: 1, 128, 256>}, {transform_indices = @transform_18, window_bounds = array<i64: 1, 256, 256>}, {transform_indices = @transform_19, window_bounds = array<i64: 1, 8, 256>}, {transform_indices = @transform_20, window_bounds = array<i64: 1, 128, 256>}, {transform_indices = @transform_21, window_bounds = array<i64: 1, 256, 256>}, {transform_indices = @transform_22, window_bounds = array<i64: 1, 8, 256>}, {transform_indices = @transform_23, window_bounds = array<i64: 1, 128, 256>}, {transform_indices = @transform_24, window_bounds = array<i64: 1, 256, 256>}, {transform_indices = @transform_25, window_bounds = array<i64: 1, 8, 256>}, {pipeline_mode = #tpu.pipeline_mode<synchronous>, transform_indices = @transform_26, window_bounds = array<i64: 8, 16>}]} {
    %broadcast_in_dim3A = arith.constant 0.000000e+00 : f32
    %broadcast_in_dim3A_0 = vector.broadcast %broadcast_in_dim3A : f32 to vector<1x16xf32>
    %get3A = arith.constant 0 : index
    %get3A_1 = arith.constant 0 : index
    %get3A_2 = arith.constant 0 : index
    %get3A_3 = vector.load %arg6[%get3A, %get3A_1, %get3A_2] : memref<1x8x256xf32, #tpu.memory_space<vmem>>, vector<1x8x256xf32>
    %get3A_4 = vector.shape_cast %get3A_3 : vector<1x8x256xf32> to vector<8x256xf32>
    %get3A_5 = arith.constant 0 : index
    %get3A_6 = arith.constant 0 : index
    %get3A_7 = vector.load %arg3[%get3A_5, %get3A_6] : memref<1024x1xi32, #tpu.memory_space<vmem>>, vector<128x1xi32>
    %lt3A = arith.constant 16 : i32
    %lt3A_8 = vector.broadcast %lt3A : i32 to vector<128x1xi32>
    %lt3A_9 = arith.cmpi slt, %get3A_7, %lt3A_8 : vector<128x1xi32>
    %get3A_10 = arith.constant 0 : index
    %get3A_11 = arith.constant 0 : index
    %get3A_12 = vector.load %arg2[%get3A_10, %get3A_11] : memref<1024x128xf32, #tpu.memory_space<vmem>>, vector<128x128xf32>
    %jit3A = arith.constant 0.000000e+00 : f32
    %broadcast_in_dim3A_13 = vector.shape_cast %lt3A_9 : vector<128x1xi1> to vector<128x1xi1>
    %broadcast_in_dim3A_14 = vector.broadcast %broadcast_in_dim3A_13 : vector<128x1xi1> to vector<128x128xi1>
    %broadcast_in_dim3A_15 = vector.broadcast %jit3A : f32 to vector<128x128xf32>
    %select_n3A = arith.select %broadcast_in_dim3A_14, %get3A_12, %broadcast_in_dim3A_15 : vector<128x128xi1>, vector<128x128xf32>
    %iota3A = tpu.iota {dimensions = array<i32: 1>} : vector<1x16xi32>
    %eq3A = vector.broadcast %get3A_7 : vector<128x1xi32> to vector<128x16xi32>
    %eq3A_16 = vector.broadcast %iota3A : vector<1x16xi32> to vector<128x16xi32>
    %eq3A_17 = arith.cmpi eq, %eq3A, %eq3A_16 : vector<128x16xi32>
    %convert_element_type3A = arith.extui %eq3A_17 : vector<128x16xi1> to vector<128x16xi32>
    %convert_element_type3A_18 = arith.sitofp %convert_element_type3A : vector<128x16xi32> to vector<128x16xf32>
    %get3A_19 = arith.constant 0 : index
    %get3A_20 = arith.constant 0 : index
    %get3A_21 = arith.constant 0 : index
    %get3A_22 = vector.load %arg4[%get3A_19, %get3A_20, %get3A_21] : memref<1x128x256xf32, #tpu.memory_space<vmem>>, vector<1x128x256xf32>
    %get3A_23 = vector.shape_cast %get3A_22 : vector<1x128x256xf32> to vector<128x256xf32>
    %dot_general3A = arith.constant dense<0.000000e+00> : vector<128x256xf32>
    %dot_general3A_24 = tpu.matmul %select_n3A, %get3A_23, %dot_general3A {dimension_numbers = #tpu.dot_dimension_numbers<[1], [0], [0], [1], [0, 0, 1, 1], [], []>, transpose_lhs_hint = false} : vector<128x128xf32>, vector<128x256xf32>, vector<128x256xf32> -> vector<128x256xf32>
    %slice3A = vector.extract_strided_slice %get3A_4 {offsets = [0, 0], sizes = [1, 256], strides = [1, 1]} : vector<8x256xf32> to vector<1x256xf32>
    %add3A = vector.broadcast %slice3A : vector<1x256xf32> to vector<128x256xf32>
    %add3A_25 = arith.addf %dot_general3A_24, %add3A : vector<128x256xf32>
    %tanh3A = math.tanh %add3A_25 : vector<128x256xf32>
    %get3A_26 = arith.constant 0 : index
    %get3A_27 = arith.constant 0 : index
    %get3A_28 = arith.constant 0 : index
    %get3A_29 = vector.load %arg5[%get3A_26, %get3A_27, %get3A_28] : memref<1x256x256xf32, #tpu.memory_space<vmem>>, vector<1x256x256xf32>
    %get3A_30 = vector.shape_cast %get3A_29 : vector<1x256x256xf32> to vector<256x256xf32>
    %dot_general3A_31 = arith.constant dense<0.000000e+00> : vector<128x256xf32>
    %dot_general3A_32 = tpu.matmul %tanh3A, %get3A_30, %dot_general3A_31 {dimension_numbers = #tpu.dot_dimension_numbers<[1], [0], [0], [1], [0, 0, 1, 1], [], []>, transpose_lhs_hint = false} : vector<128x256xf32>, vector<256x256xf32>, vector<128x256xf32> -> vector<128x256xf32>
    %slice3A_33 = vector.extract_strided_slice %get3A_4 {offsets = [1, 0], sizes = [1, 256], strides = [1, 1]} : vector<8x256xf32> to vector<1x256xf32>
    %add3A_34 = vector.broadcast %slice3A_33 : vector<1x256xf32> to vector<128x256xf32>
    %add3A_35 = arith.addf %dot_general3A_32, %add3A_34 : vector<128x256xf32>
    %tanh3A_36 = math.tanh %add3A_35 : vector<128x256xf32>
    %slice3A_37 = vector.extract_strided_slice %get3A_4 {offsets = [2, 0], sizes = [1, 256], strides = [1, 1]} : vector<8x256xf32> to vector<1x256xf32>
    %mul3A = vector.broadcast %slice3A_37 : vector<1x256xf32> to vector<128x256xf32>
    %mul3A_38 = arith.mulf %tanh3A_36, %mul3A : vector<128x256xf32>
    %reduce_sum3A = arith.constant dense<0.000000e+00> : vector<128xf32>
    %reduce_sum3A_39 = vector.multi_reduction <add>, %mul3A_38, %reduce_sum3A [1] : vector<128x256xf32> to vector<128xf32>
    %broadcast_in_dim3A_40 = vector.shape_cast %reduce_sum3A_39 : vector<128xf32> to vector<128x1xf32>
    %slice3A_41 = vector.extract_strided_slice %get3A_4 {offsets = [3, 0], sizes = [1, 1], strides = [1, 1]} : vector<8x256xf32> to vector<1x1xf32>
    %add3A_42 = vector.broadcast %slice3A_41 : vector<1x1xf32> to vector<128x1xf32>
    %add3A_43 = arith.addf %broadcast_in_dim3A_40, %add3A_42 : vector<128x1xf32>
    %mul3A_44 = vector.broadcast %add3A_43 : vector<128x1xf32> to vector<128x16xf32>
    %mul3A_45 = arith.mulf %convert_element_type3A_18, %mul3A_44 : vector<128x16xf32>
    %reduce_sum3A_46 = arith.constant dense<0.000000e+00> : vector<16xf32>
    %reduce_sum3A_47 = vector.multi_reduction <add>, %mul3A_45, %reduce_sum3A_46 [0] : vector<128x16xf32> to vector<16xf32>
    %broadcast_in_dim3A_48 = vector.shape_cast %reduce_sum3A_47 : vector<16xf32> to vector<1x16xf32>
    %add3A_49 = arith.addf %broadcast_in_dim3A_0, %broadcast_in_dim3A_48 : vector<1x16xf32>
    %get3A_50 = arith.constant 0 : index
    %get3A_51 = arith.constant 0 : index
    %get3A_52 = arith.constant 0 : index
    %get3A_53 = vector.load %arg9[%get3A_50, %get3A_51, %get3A_52] : memref<1x8x256xf32, #tpu.memory_space<vmem>>, vector<1x8x256xf32>
    %get3A_54 = vector.shape_cast %get3A_53 : vector<1x8x256xf32> to vector<8x256xf32>
    %get3A_55 = arith.constant 128 : index
    %get3A_56 = arith.constant 0 : index
    %get3A_57 = vector.load %arg3[%get3A_55, %get3A_56] : memref<1024x1xi32, #tpu.memory_space<vmem>>, vector<128x1xi32>
    %lt3A_58 = arith.constant 16 : i32
    %lt3A_59 = vector.broadcast %lt3A_58 : i32 to vector<128x1xi32>
    %lt3A_60 = arith.cmpi slt, %get3A_57, %lt3A_59 : vector<128x1xi32>
    %get3A_61 = arith.constant 128 : index
    %get3A_62 = arith.constant 0 : index
    %get3A_63 = vector.load %arg2[%get3A_61, %get3A_62] : memref<1024x128xf32, #tpu.memory_space<vmem>>, vector<128x128xf32>
    %jit3A_64 = arith.constant 0.000000e+00 : f32
    %broadcast_in_dim3A_65 = vector.shape_cast %lt3A_60 : vector<128x1xi1> to vector<128x1xi1>
    %broadcast_in_dim3A_66 = vector.broadcast %broadcast_in_dim3A_65 : vector<128x1xi1> to vector<128x128xi1>
    %broadcast_in_dim3A_67 = vector.broadcast %jit3A_64 : f32 to vector<128x128xf32>
    %select_n3A_68 = arith.select %broadcast_in_dim3A_66, %get3A_63, %broadcast_in_dim3A_67 : vector<128x128xi1>, vector<128x128xf32>
    %iota3A_69 = tpu.iota {dimensions = array<i32: 1>} : vector<1x16xi32>
    %eq3A_70 = vector.broadcast %get3A_57 : vector<128x1xi32> to vector<128x16xi32>
    %eq3A_71 = vector.broadcast %iota3A_69 : vector<1x16xi32> to vector<128x16xi32>
    %eq3A_72 = arith.cmpi eq, %eq3A_70, %eq3A_71 : vector<128x16xi32>
    %convert_element_type3A_73 = arith.extui %eq3A_72 : vector<128x16xi1> to vector<128x16xi32>
    %convert_element_type3A_74 = arith.sitofp %convert_element_type3A_73 : vector<128x16xi32> to vector<128x16xf32>
    %get3A_75 = arith.constant 0 : index
    %get3A_76 = arith.constant 0 : index
    %get3A_77 = arith.constant 0 : index
    %get3A_78 = vector.load %arg7[%get3A_75, %get3A_76, %get3A_77] : memref<1x128x256xf32, #tpu.memory_space<vmem>>, vector<1x128x256xf32>
    %get3A_79 = vector.shape_cast %get3A_78 : vector<1x128x256xf32> to vector<128x256xf32>
    %dot_general3A_80 = arith.constant dense<0.000000e+00> : vector<128x256xf32>
    %dot_general3A_81 = tpu.matmul %select_n3A_68, %get3A_79, %dot_general3A_80 {dimension_numbers = #tpu.dot_dimension_numbers<[1], [0], [0], [1], [0, 0, 1, 1], [], []>, transpose_lhs_hint = false} : vector<128x128xf32>, vector<128x256xf32>, vector<128x256xf32> -> vector<128x256xf32>
    %slice3A_82 = vector.extract_strided_slice %get3A_54 {offsets = [0, 0], sizes = [1, 256], strides = [1, 1]} : vector<8x256xf32> to vector<1x256xf32>
    %add3A_83 = vector.broadcast %slice3A_82 : vector<1x256xf32> to vector<128x256xf32>
    %add3A_84 = arith.addf %dot_general3A_81, %add3A_83 : vector<128x256xf32>
    %tanh3A_85 = math.tanh %add3A_84 : vector<128x256xf32>
    %get3A_86 = arith.constant 0 : index
    %get3A_87 = arith.constant 0 : index
    %get3A_88 = arith.constant 0 : index
    %get3A_89 = vector.load %arg8[%get3A_86, %get3A_87, %get3A_88] : memref<1x256x256xf32, #tpu.memory_space<vmem>>, vector<1x256x256xf32>
    %get3A_90 = vector.shape_cast %get3A_89 : vector<1x256x256xf32> to vector<256x256xf32>
    %dot_general3A_91 = arith.constant dense<0.000000e+00> : vector<128x256xf32>
    %dot_general3A_92 = tpu.matmul %tanh3A_85, %get3A_90, %dot_general3A_91 {dimension_numbers = #tpu.dot_dimension_numbers<[1], [0], [0], [1], [0, 0, 1, 1], [], []>, transpose_lhs_hint = false} : vector<128x256xf32>, vector<256x256xf32>, vector<128x256xf32> -> vector<128x256xf32>
    %slice3A_93 = vector.extract_strided_slice %get3A_54 {offsets = [1, 0], sizes = [1, 256], strides = [1, 1]} : vector<8x256xf32> to vector<1x256xf32>
    %add3A_94 = vector.broadcast %slice3A_93 : vector<1x256xf32> to vector<128x256xf32>
    %add3A_95 = arith.addf %dot_general3A_92, %add3A_94 : vector<128x256xf32>
    %tanh3A_96 = math.tanh %add3A_95 : vector<128x256xf32>
    %slice3A_97 = vector.extract_strided_slice %get3A_54 {offsets = [2, 0], sizes = [1, 256], strides = [1, 1]} : vector<8x256xf32> to vector<1x256xf32>
    %mul3A_98 = vector.broadcast %slice3A_97 : vector<1x256xf32> to vector<128x256xf32>
    %mul3A_99 = arith.mulf %tanh3A_96, %mul3A_98 : vector<128x256xf32>
    %reduce_sum3A_100 = arith.constant dense<0.000000e+00> : vector<128xf32>
    %reduce_sum3A_101 = vector.multi_reduction <add>, %mul3A_99, %reduce_sum3A_100 [1] : vector<128x256xf32> to vector<128xf32>
    %broadcast_in_dim3A_102 = vector.shape_cast %reduce_sum3A_101 : vector<128xf32> to vector<128x1xf32>
    %slice3A_103 = vector.extract_strided_slice %get3A_54 {offsets = [3, 0], sizes = [1, 1], strides = [1, 1]} : vector<8x256xf32> to vector<1x1xf32>
    %add3A_104 = vector.broadcast %slice3A_103 : vector<1x1xf32> to vector<128x1xf32>
    %add3A_105 = arith.addf %broadcast_in_dim3A_102, %add3A_104 : vector<128x1xf32>
    %mul3A_106 = vector.broadcast %add3A_105 : vector<128x1xf32> to vector<128x16xf32>
    %mul3A_107 = arith.mulf %convert_element_type3A_74, %mul3A_106 : vector<128x16xf32>
    %reduce_sum3A_108 = arith.constant dense<0.000000e+00> : vector<16xf32>
    %reduce_sum3A_109 = vector.multi_reduction <add>, %mul3A_107, %reduce_sum3A_108 [0] : vector<128x16xf32> to vector<16xf32>
    %broadcast_in_dim3A_110 = vector.shape_cast %reduce_sum3A_109 : vector<16xf32> to vector<1x16xf32>
    %add3A_111 = arith.addf %add3A_49, %broadcast_in_dim3A_110 : vector<1x16xf32>
    %get3A_112 = arith.constant 0 : index
    %get3A_113 = arith.constant 0 : index
    %get3A_114 = arith.constant 0 : index
    %get3A_115 = vector.load %arg12[%get3A_112, %get3A_113, %get3A_114] : memref<1x8x256xf32, #tpu.memory_space<vmem>>, vector<1x8x256xf32>
    %get3A_116 = vector.shape_cast %get3A_115 : vector<1x8x256xf32> to vector<8x256xf32>
    %get3A_117 = arith.constant 256 : index
    %get3A_118 = arith.constant 0 : index
    %get3A_119 = vector.load %arg3[%get3A_117, %get3A_118] : memref<1024x1xi32, #tpu.memory_space<vmem>>, vector<128x1xi32>
    %lt3A_120 = arith.constant 16 : i32
    %lt3A_121 = vector.broadcast %lt3A_120 : i32 to vector<128x1xi32>
    %lt3A_122 = arith.cmpi slt, %get3A_119, %lt3A_121 : vector<128x1xi32>
    %get3A_123 = arith.constant 256 : index
    %get3A_124 = arith.constant 0 : index
    %get3A_125 = vector.load %arg2[%get3A_123, %get3A_124] : memref<1024x128xf32, #tpu.memory_space<vmem>>, vector<128x128xf32>
    %jit3A_126 = arith.constant 0.000000e+00 : f32
    %broadcast_in_dim3A_127 = vector.shape_cast %lt3A_122 : vector<128x1xi1> to vector<128x1xi1>
    %broadcast_in_dim3A_128 = vector.broadcast %broadcast_in_dim3A_127 : vector<128x1xi1> to vector<128x128xi1>
    %broadcast_in_dim3A_129 = vector.broadcast %jit3A_126 : f32 to vector<128x128xf32>
    %select_n3A_130 = arith.select %broadcast_in_dim3A_128, %get3A_125, %broadcast_in_dim3A_129 : vector<128x128xi1>, vector<128x128xf32>
    %iota3A_131 = tpu.iota {dimensions = array<i32: 1>} : vector<1x16xi32>
    %eq3A_132 = vector.broadcast %get3A_119 : vector<128x1xi32> to vector<128x16xi32>
    %eq3A_133 = vector.broadcast %iota3A_131 : vector<1x16xi32> to vector<128x16xi32>
    %eq3A_134 = arith.cmpi eq, %eq3A_132, %eq3A_133 : vector<128x16xi32>
    %convert_element_type3A_135 = arith.extui %eq3A_134 : vector<128x16xi1> to vector<128x16xi32>
    %convert_element_type3A_136 = arith.sitofp %convert_element_type3A_135 : vector<128x16xi32> to vector<128x16xf32>
    %get3A_137 = arith.constant 0 : index
    %get3A_138 = arith.constant 0 : index
    %get3A_139 = arith.constant 0 : index
    %get3A_140 = vector.load %arg10[%get3A_137, %get3A_138, %get3A_139] : memref<1x128x256xf32, #tpu.memory_space<vmem>>, vector<1x128x256xf32>
    %get3A_141 = vector.shape_cast %get3A_140 : vector<1x128x256xf32> to vector<128x256xf32>
    %dot_general3A_142 = arith.constant dense<0.000000e+00> : vector<128x256xf32>
    %dot_general3A_143 = tpu.matmul %select_n3A_130, %get3A_141, %dot_general3A_142 {dimension_numbers = #tpu.dot_dimension_numbers<[1], [0], [0], [1], [0, 0, 1, 1], [], []>, transpose_lhs_hint = false} : vector<128x128xf32>, vector<128x256xf32>, vector<128x256xf32> -> vector<128x256xf32>
    %slice3A_144 = vector.extract_strided_slice %get3A_116 {offsets = [0, 0], sizes = [1, 256], strides = [1, 1]} : vector<8x256xf32> to vector<1x256xf32>
    %add3A_145 = vector.broadcast %slice3A_144 : vector<1x256xf32> to vector<128x256xf32>
    %add3A_146 = arith.addf %dot_general3A_143, %add3A_145 : vector<128x256xf32>
    %tanh3A_147 = math.tanh %add3A_146 : vector<128x256xf32>
    %get3A_148 = arith.constant 0 : index
    %get3A_149 = arith.constant 0 : index
    %get3A_150 = arith.constant 0 : index
    %get3A_151 = vector.load %arg11[%get3A_148, %get3A_149, %get3A_150] : memref<1x256x256xf32, #tpu.memory_space<vmem>>, vector<1x256x256xf32>
    %get3A_152 = vector.shape_cast %get3A_151 : vector<1x256x256xf32> to vector<256x256xf32>
    %dot_general3A_153 = arith.constant dense<0.000000e+00> : vector<128x256xf32>
    %dot_general3A_154 = tpu.matmul %tanh3A_147, %get3A_152, %dot_general3A_153 {dimension_numbers = #tpu.dot_dimension_numbers<[1], [0], [0], [1], [0, 0, 1, 1], [], []>, transpose_lhs_hint = false} : vector<128x256xf32>, vector<256x256xf32>, vector<128x256xf32> -> vector<128x256xf32>
    %slice3A_155 = vector.extract_strided_slice %get3A_116 {offsets = [1, 0], sizes = [1, 256], strides = [1, 1]} : vector<8x256xf32> to vector<1x256xf32>
    %add3A_156 = vector.broadcast %slice3A_155 : vector<1x256xf32> to vector<128x256xf32>
    %add3A_157 = arith.addf %dot_general3A_154, %add3A_156 : vector<128x256xf32>
    %tanh3A_158 = math.tanh %add3A_157 : vector<128x256xf32>
    %slice3A_159 = vector.extract_strided_slice %get3A_116 {offsets = [2, 0], sizes = [1, 256], strides = [1, 1]} : vector<8x256xf32> to vector<1x256xf32>
    %mul3A_160 = vector.broadcast %slice3A_159 : vector<1x256xf32> to vector<128x256xf32>
    %mul3A_161 = arith.mulf %tanh3A_158, %mul3A_160 : vector<128x256xf32>
    %reduce_sum3A_162 = arith.constant dense<0.000000e+00> : vector<128xf32>
    %reduce_sum3A_163 = vector.multi_reduction <add>, %mul3A_161, %reduce_sum3A_162 [1] : vector<128x256xf32> to vector<128xf32>
    %broadcast_in_dim3A_164 = vector.shape_cast %reduce_sum3A_163 : vector<128xf32> to vector<128x1xf32>
    %slice3A_165 = vector.extract_strided_slice %get3A_116 {offsets = [3, 0], sizes = [1, 1], strides = [1, 1]} : vector<8x256xf32> to vector<1x1xf32>
    %add3A_166 = vector.broadcast %slice3A_165 : vector<1x1xf32> to vector<128x1xf32>
    %add3A_167 = arith.addf %broadcast_in_dim3A_164, %add3A_166 : vector<128x1xf32>
    %mul3A_168 = vector.broadcast %add3A_167 : vector<128x1xf32> to vector<128x16xf32>
    %mul3A_169 = arith.mulf %convert_element_type3A_136, %mul3A_168 : vector<128x16xf32>
    %reduce_sum3A_170 = arith.constant dense<0.000000e+00> : vector<16xf32>
    %reduce_sum3A_171 = vector.multi_reduction <add>, %mul3A_169, %reduce_sum3A_170 [0] : vector<128x16xf32> to vector<16xf32>
    %broadcast_in_dim3A_172 = vector.shape_cast %reduce_sum3A_171 : vector<16xf32> to vector<1x16xf32>
    %add3A_173 = arith.addf %add3A_111, %broadcast_in_dim3A_172 : vector<1x16xf32>
    %get3A_174 = arith.constant 0 : index
    %get3A_175 = arith.constant 0 : index
    %get3A_176 = arith.constant 0 : index
    %get3A_177 = vector.load %arg15[%get3A_174, %get3A_175, %get3A_176] : memref<1x8x256xf32, #tpu.memory_space<vmem>>, vector<1x8x256xf32>
    %get3A_178 = vector.shape_cast %get3A_177 : vector<1x8x256xf32> to vector<8x256xf32>
    %get3A_179 = arith.constant 384 : index
    %get3A_180 = arith.constant 0 : index
    %get3A_181 = vector.load %arg3[%get3A_179, %get3A_180] : memref<1024x1xi32, #tpu.memory_space<vmem>>, vector<128x1xi32>
    %lt3A_182 = arith.constant 16 : i32
    %lt3A_183 = vector.broadcast %lt3A_182 : i32 to vector<128x1xi32>
    %lt3A_184 = arith.cmpi slt, %get3A_181, %lt3A_183 : vector<128x1xi32>
    %get3A_185 = arith.constant 384 : index
    %get3A_186 = arith.constant 0 : index
    %get3A_187 = vector.load %arg2[%get3A_185, %get3A_186] : memref<1024x128xf32, #tpu.memory_space<vmem>>, vector<128x128xf32>
    %jit3A_188 = arith.constant 0.000000e+00 : f32
    %broadcast_in_dim3A_189 = vector.shape_cast %lt3A_184 : vector<128x1xi1> to vector<128x1xi1>
    %broadcast_in_dim3A_190 = vector.broadcast %broadcast_in_dim3A_189 : vector<128x1xi1> to vector<128x128xi1>
    %broadcast_in_dim3A_191 = vector.broadcast %jit3A_188 : f32 to vector<128x128xf32>
    %select_n3A_192 = arith.select %broadcast_in_dim3A_190, %get3A_187, %broadcast_in_dim3A_191 : vector<128x128xi1>, vector<128x128xf32>
    %iota3A_193 = tpu.iota {dimensions = array<i32: 1>} : vector<1x16xi32>
    %eq3A_194 = vector.broadcast %get3A_181 : vector<128x1xi32> to vector<128x16xi32>
    %eq3A_195 = vector.broadcast %iota3A_193 : vector<1x16xi32> to vector<128x16xi32>
    %eq3A_196 = arith.cmpi eq, %eq3A_194, %eq3A_195 : vector<128x16xi32>
    %convert_element_type3A_197 = arith.extui %eq3A_196 : vector<128x16xi1> to vector<128x16xi32>
    %convert_element_type3A_198 = arith.sitofp %convert_element_type3A_197 : vector<128x16xi32> to vector<128x16xf32>
    %get3A_199 = arith.constant 0 : index
    %get3A_200 = arith.constant 0 : index
    %get3A_201 = arith.constant 0 : index
    %get3A_202 = vector.load %arg13[%get3A_199, %get3A_200, %get3A_201] : memref<1x128x256xf32, #tpu.memory_space<vmem>>, vector<1x128x256xf32>
    %get3A_203 = vector.shape_cast %get3A_202 : vector<1x128x256xf32> to vector<128x256xf32>
    %dot_general3A_204 = arith.constant dense<0.000000e+00> : vector<128x256xf32>
    %dot_general3A_205 = tpu.matmul %select_n3A_192, %get3A_203, %dot_general3A_204 {dimension_numbers = #tpu.dot_dimension_numbers<[1], [0], [0], [1], [0, 0, 1, 1], [], []>, transpose_lhs_hint = false} : vector<128x128xf32>, vector<128x256xf32>, vector<128x256xf32> -> vector<128x256xf32>
    %slice3A_206 = vector.extract_strided_slice %get3A_178 {offsets = [0, 0], sizes = [1, 256], strides = [1, 1]} : vector<8x256xf32> to vector<1x256xf32>
    %add3A_207 = vector.broadcast %slice3A_206 : vector<1x256xf32> to vector<128x256xf32>
    %add3A_208 = arith.addf %dot_general3A_205, %add3A_207 : vector<128x256xf32>
    %tanh3A_209 = math.tanh %add3A_208 : vector<128x256xf32>
    %get3A_210 = arith.constant 0 : index
    %get3A_211 = arith.constant 0 : index
    %get3A_212 = arith.constant 0 : index
    %get3A_213 = vector.load %arg14[%get3A_210, %get3A_211, %get3A_212] : memref<1x256x256xf32, #tpu.memory_space<vmem>>, vector<1x256x256xf32>
    %get3A_214 = vector.shape_cast %get3A_213 : vector<1x256x256xf32> to vector<256x256xf32>
    %dot_general3A_215 = arith.constant dense<0.000000e+00> : vector<128x256xf32>
    %dot_general3A_216 = tpu.matmul %tanh3A_209, %get3A_214, %dot_general3A_215 {dimension_numbers = #tpu.dot_dimension_numbers<[1], [0], [0], [1], [0, 0, 1, 1], [], []>, transpose_lhs_hint = false} : vector<128x256xf32>, vector<256x256xf32>, vector<128x256xf32> -> vector<128x256xf32>
    %slice3A_217 = vector.extract_strided_slice %get3A_178 {offsets = [1, 0], sizes = [1, 256], strides = [1, 1]} : vector<8x256xf32> to vector<1x256xf32>
    %add3A_218 = vector.broadcast %slice3A_217 : vector<1x256xf32> to vector<128x256xf32>
    %add3A_219 = arith.addf %dot_general3A_216, %add3A_218 : vector<128x256xf32>
    %tanh3A_220 = math.tanh %add3A_219 : vector<128x256xf32>
    %slice3A_221 = vector.extract_strided_slice %get3A_178 {offsets = [2, 0], sizes = [1, 256], strides = [1, 1]} : vector<8x256xf32> to vector<1x256xf32>
    %mul3A_222 = vector.broadcast %slice3A_221 : vector<1x256xf32> to vector<128x256xf32>
    %mul3A_223 = arith.mulf %tanh3A_220, %mul3A_222 : vector<128x256xf32>
    %reduce_sum3A_224 = arith.constant dense<0.000000e+00> : vector<128xf32>
    %reduce_sum3A_225 = vector.multi_reduction <add>, %mul3A_223, %reduce_sum3A_224 [1] : vector<128x256xf32> to vector<128xf32>
    %broadcast_in_dim3A_226 = vector.shape_cast %reduce_sum3A_225 : vector<128xf32> to vector<128x1xf32>
    %slice3A_227 = vector.extract_strided_slice %get3A_178 {offsets = [3, 0], sizes = [1, 1], strides = [1, 1]} : vector<8x256xf32> to vector<1x1xf32>
    %add3A_228 = vector.broadcast %slice3A_227 : vector<1x1xf32> to vector<128x1xf32>
    %add3A_229 = arith.addf %broadcast_in_dim3A_226, %add3A_228 : vector<128x1xf32>
    %mul3A_230 = vector.broadcast %add3A_229 : vector<128x1xf32> to vector<128x16xf32>
    %mul3A_231 = arith.mulf %convert_element_type3A_198, %mul3A_230 : vector<128x16xf32>
    %reduce_sum3A_232 = arith.constant dense<0.000000e+00> : vector<16xf32>
    %reduce_sum3A_233 = vector.multi_reduction <add>, %mul3A_231, %reduce_sum3A_232 [0] : vector<128x16xf32> to vector<16xf32>
    %broadcast_in_dim3A_234 = vector.shape_cast %reduce_sum3A_233 : vector<16xf32> to vector<1x16xf32>
    %add3A_235 = arith.addf %add3A_173, %broadcast_in_dim3A_234 : vector<1x16xf32>
    %get3A_236 = arith.constant 0 : index
    %get3A_237 = arith.constant 0 : index
    %get3A_238 = arith.constant 0 : index
    %get3A_239 = vector.load %arg18[%get3A_236, %get3A_237, %get3A_238] : memref<1x8x256xf32, #tpu.memory_space<vmem>>, vector<1x8x256xf32>
    %get3A_240 = vector.shape_cast %get3A_239 : vector<1x8x256xf32> to vector<8x256xf32>
    %get3A_241 = arith.constant 512 : index
    %get3A_242 = arith.constant 0 : index
    %get3A_243 = vector.load %arg3[%get3A_241, %get3A_242] : memref<1024x1xi32, #tpu.memory_space<vmem>>, vector<128x1xi32>
    %lt3A_244 = arith.constant 16 : i32
    %lt3A_245 = vector.broadcast %lt3A_244 : i32 to vector<128x1xi32>
    %lt3A_246 = arith.cmpi slt, %get3A_243, %lt3A_245 : vector<128x1xi32>
    %get3A_247 = arith.constant 512 : index
    %get3A_248 = arith.constant 0 : index
    %get3A_249 = vector.load %arg2[%get3A_247, %get3A_248] : memref<1024x128xf32, #tpu.memory_space<vmem>>, vector<128x128xf32>
    %jit3A_250 = arith.constant 0.000000e+00 : f32
    %broadcast_in_dim3A_251 = vector.shape_cast %lt3A_246 : vector<128x1xi1> to vector<128x1xi1>
    %broadcast_in_dim3A_252 = vector.broadcast %broadcast_in_dim3A_251 : vector<128x1xi1> to vector<128x128xi1>
    %broadcast_in_dim3A_253 = vector.broadcast %jit3A_250 : f32 to vector<128x128xf32>
    %select_n3A_254 = arith.select %broadcast_in_dim3A_252, %get3A_249, %broadcast_in_dim3A_253 : vector<128x128xi1>, vector<128x128xf32>
    %iota3A_255 = tpu.iota {dimensions = array<i32: 1>} : vector<1x16xi32>
    %eq3A_256 = vector.broadcast %get3A_243 : vector<128x1xi32> to vector<128x16xi32>
    %eq3A_257 = vector.broadcast %iota3A_255 : vector<1x16xi32> to vector<128x16xi32>
    %eq3A_258 = arith.cmpi eq, %eq3A_256, %eq3A_257 : vector<128x16xi32>
    %convert_element_type3A_259 = arith.extui %eq3A_258 : vector<128x16xi1> to vector<128x16xi32>
    %convert_element_type3A_260 = arith.sitofp %convert_element_type3A_259 : vector<128x16xi32> to vector<128x16xf32>
    %get3A_261 = arith.constant 0 : index
    %get3A_262 = arith.constant 0 : index
    %get3A_263 = arith.constant 0 : index
    %get3A_264 = vector.load %arg16[%get3A_261, %get3A_262, %get3A_263] : memref<1x128x256xf32, #tpu.memory_space<vmem>>, vector<1x128x256xf32>
    %get3A_265 = vector.shape_cast %get3A_264 : vector<1x128x256xf32> to vector<128x256xf32>
    %dot_general3A_266 = arith.constant dense<0.000000e+00> : vector<128x256xf32>
    %dot_general3A_267 = tpu.matmul %select_n3A_254, %get3A_265, %dot_general3A_266 {dimension_numbers = #tpu.dot_dimension_numbers<[1], [0], [0], [1], [0, 0, 1, 1], [], []>, transpose_lhs_hint = false} : vector<128x128xf32>, vector<128x256xf32>, vector<128x256xf32> -> vector<128x256xf32>
    %slice3A_268 = vector.extract_strided_slice %get3A_240 {offsets = [0, 0], sizes = [1, 256], strides = [1, 1]} : vector<8x256xf32> to vector<1x256xf32>
    %add3A_269 = vector.broadcast %slice3A_268 : vector<1x256xf32> to vector<128x256xf32>
    %add3A_270 = arith.addf %dot_general3A_267, %add3A_269 : vector<128x256xf32>
    %tanh3A_271 = math.tanh %add3A_270 : vector<128x256xf32>
    %get3A_272 = arith.constant 0 : index
    %get3A_273 = arith.constant 0 : index
    %get3A_274 = arith.constant 0 : index
    %get3A_275 = vector.load %arg17[%get3A_272, %get3A_273, %get3A_274] : memref<1x256x256xf32, #tpu.memory_space<vmem>>, vector<1x256x256xf32>
    %get3A_276 = vector.shape_cast %get3A_275 : vector<1x256x256xf32> to vector<256x256xf32>
    %dot_general3A_277 = arith.constant dense<0.000000e+00> : vector<128x256xf32>
    %dot_general3A_278 = tpu.matmul %tanh3A_271, %get3A_276, %dot_general3A_277 {dimension_numbers = #tpu.dot_dimension_numbers<[1], [0], [0], [1], [0, 0, 1, 1], [], []>, transpose_lhs_hint = false} : vector<128x256xf32>, vector<256x256xf32>, vector<128x256xf32> -> vector<128x256xf32>
    %slice3A_279 = vector.extract_strided_slice %get3A_240 {offsets = [1, 0], sizes = [1, 256], strides = [1, 1]} : vector<8x256xf32> to vector<1x256xf32>
    %add3A_280 = vector.broadcast %slice3A_279 : vector<1x256xf32> to vector<128x256xf32>
    %add3A_281 = arith.addf %dot_general3A_278, %add3A_280 : vector<128x256xf32>
    %tanh3A_282 = math.tanh %add3A_281 : vector<128x256xf32>
    %slice3A_283 = vector.extract_strided_slice %get3A_240 {offsets = [2, 0], sizes = [1, 256], strides = [1, 1]} : vector<8x256xf32> to vector<1x256xf32>
    %mul3A_284 = vector.broadcast %slice3A_283 : vector<1x256xf32> to vector<128x256xf32>
    %mul3A_285 = arith.mulf %tanh3A_282, %mul3A_284 : vector<128x256xf32>
    %reduce_sum3A_286 = arith.constant dense<0.000000e+00> : vector<128xf32>
    %reduce_sum3A_287 = vector.multi_reduction <add>, %mul3A_285, %reduce_sum3A_286 [1] : vector<128x256xf32> to vector<128xf32>
    %broadcast_in_dim3A_288 = vector.shape_cast %reduce_sum3A_287 : vector<128xf32> to vector<128x1xf32>
    %slice3A_289 = vector.extract_strided_slice %get3A_240 {offsets = [3, 0], sizes = [1, 1], strides = [1, 1]} : vector<8x256xf32> to vector<1x1xf32>
    %add3A_290 = vector.broadcast %slice3A_289 : vector<1x1xf32> to vector<128x1xf32>
    %add3A_291 = arith.addf %broadcast_in_dim3A_288, %add3A_290 : vector<128x1xf32>
    %mul3A_292 = vector.broadcast %add3A_291 : vector<128x1xf32> to vector<128x16xf32>
    %mul3A_293 = arith.mulf %convert_element_type3A_260, %mul3A_292 : vector<128x16xf32>
    %reduce_sum3A_294 = arith.constant dense<0.000000e+00> : vector<16xf32>
    %reduce_sum3A_295 = vector.multi_reduction <add>, %mul3A_293, %reduce_sum3A_294 [0] : vector<128x16xf32> to vector<16xf32>
    %broadcast_in_dim3A_296 = vector.shape_cast %reduce_sum3A_295 : vector<16xf32> to vector<1x16xf32>
    %add3A_297 = arith.addf %add3A_235, %broadcast_in_dim3A_296 : vector<1x16xf32>
    %get3A_298 = arith.constant 0 : index
    %get3A_299 = arith.constant 0 : index
    %get3A_300 = arith.constant 0 : index
    %get3A_301 = vector.load %arg21[%get3A_298, %get3A_299, %get3A_300] : memref<1x8x256xf32, #tpu.memory_space<vmem>>, vector<1x8x256xf32>
    %get3A_302 = vector.shape_cast %get3A_301 : vector<1x8x256xf32> to vector<8x256xf32>
    %get3A_303 = arith.constant 640 : index
    %get3A_304 = arith.constant 0 : index
    %get3A_305 = vector.load %arg3[%get3A_303, %get3A_304] : memref<1024x1xi32, #tpu.memory_space<vmem>>, vector<128x1xi32>
    %lt3A_306 = arith.constant 16 : i32
    %lt3A_307 = vector.broadcast %lt3A_306 : i32 to vector<128x1xi32>
    %lt3A_308 = arith.cmpi slt, %get3A_305, %lt3A_307 : vector<128x1xi32>
    %get3A_309 = arith.constant 640 : index
    %get3A_310 = arith.constant 0 : index
    %get3A_311 = vector.load %arg2[%get3A_309, %get3A_310] : memref<1024x128xf32, #tpu.memory_space<vmem>>, vector<128x128xf32>
    %jit3A_312 = arith.constant 0.000000e+00 : f32
    %broadcast_in_dim3A_313 = vector.shape_cast %lt3A_308 : vector<128x1xi1> to vector<128x1xi1>
    %broadcast_in_dim3A_314 = vector.broadcast %broadcast_in_dim3A_313 : vector<128x1xi1> to vector<128x128xi1>
    %broadcast_in_dim3A_315 = vector.broadcast %jit3A_312 : f32 to vector<128x128xf32>
    %select_n3A_316 = arith.select %broadcast_in_dim3A_314, %get3A_311, %broadcast_in_dim3A_315 : vector<128x128xi1>, vector<128x128xf32>
    %iota3A_317 = tpu.iota {dimensions = array<i32: 1>} : vector<1x16xi32>
    %eq3A_318 = vector.broadcast %get3A_305 : vector<128x1xi32> to vector<128x16xi32>
    %eq3A_319 = vector.broadcast %iota3A_317 : vector<1x16xi32> to vector<128x16xi32>
    %eq3A_320 = arith.cmpi eq, %eq3A_318, %eq3A_319 : vector<128x16xi32>
    %convert_element_type3A_321 = arith.extui %eq3A_320 : vector<128x16xi1> to vector<128x16xi32>
    %convert_element_type3A_322 = arith.sitofp %convert_element_type3A_321 : vector<128x16xi32> to vector<128x16xf32>
    %get3A_323 = arith.constant 0 : index
    %get3A_324 = arith.constant 0 : index
    %get3A_325 = arith.constant 0 : index
    %get3A_326 = vector.load %arg19[%get3A_323, %get3A_324, %get3A_325] : memref<1x128x256xf32, #tpu.memory_space<vmem>>, vector<1x128x256xf32>
    %get3A_327 = vector.shape_cast %get3A_326 : vector<1x128x256xf32> to vector<128x256xf32>
    %dot_general3A_328 = arith.constant dense<0.000000e+00> : vector<128x256xf32>
    %dot_general3A_329 = tpu.matmul %select_n3A_316, %get3A_327, %dot_general3A_328 {dimension_numbers = #tpu.dot_dimension_numbers<[1], [0], [0], [1], [0, 0, 1, 1], [], []>, transpose_lhs_hint = false} : vector<128x128xf32>, vector<128x256xf32>, vector<128x256xf32> -> vector<128x256xf32>
    %slice3A_330 = vector.extract_strided_slice %get3A_302 {offsets = [0, 0], sizes = [1, 256], strides = [1, 1]} : vector<8x256xf32> to vector<1x256xf32>
    %add3A_331 = vector.broadcast %slice3A_330 : vector<1x256xf32> to vector<128x256xf32>
    %add3A_332 = arith.addf %dot_general3A_329, %add3A_331 : vector<128x256xf32>
    %tanh3A_333 = math.tanh %add3A_332 : vector<128x256xf32>
    %get3A_334 = arith.constant 0 : index
    %get3A_335 = arith.constant 0 : index
    %get3A_336 = arith.constant 0 : index
    %get3A_337 = vector.load %arg20[%get3A_334, %get3A_335, %get3A_336] : memref<1x256x256xf32, #tpu.memory_space<vmem>>, vector<1x256x256xf32>
    %get3A_338 = vector.shape_cast %get3A_337 : vector<1x256x256xf32> to vector<256x256xf32>
    %dot_general3A_339 = arith.constant dense<0.000000e+00> : vector<128x256xf32>
    %dot_general3A_340 = tpu.matmul %tanh3A_333, %get3A_338, %dot_general3A_339 {dimension_numbers = #tpu.dot_dimension_numbers<[1], [0], [0], [1], [0, 0, 1, 1], [], []>, transpose_lhs_hint = false} : vector<128x256xf32>, vector<256x256xf32>, vector<128x256xf32> -> vector<128x256xf32>
    %slice3A_341 = vector.extract_strided_slice %get3A_302 {offsets = [1, 0], sizes = [1, 256], strides = [1, 1]} : vector<8x256xf32> to vector<1x256xf32>
    %add3A_342 = vector.broadcast %slice3A_341 : vector<1x256xf32> to vector<128x256xf32>
    %add3A_343 = arith.addf %dot_general3A_340, %add3A_342 : vector<128x256xf32>
    %tanh3A_344 = math.tanh %add3A_343 : vector<128x256xf32>
    %slice3A_345 = vector.extract_strided_slice %get3A_302 {offsets = [2, 0], sizes = [1, 256], strides = [1, 1]} : vector<8x256xf32> to vector<1x256xf32>
    %mul3A_346 = vector.broadcast %slice3A_345 : vector<1x256xf32> to vector<128x256xf32>
    %mul3A_347 = arith.mulf %tanh3A_344, %mul3A_346 : vector<128x256xf32>
    %reduce_sum3A_348 = arith.constant dense<0.000000e+00> : vector<128xf32>
    %reduce_sum3A_349 = vector.multi_reduction <add>, %mul3A_347, %reduce_sum3A_348 [1] : vector<128x256xf32> to vector<128xf32>
    %broadcast_in_dim3A_350 = vector.shape_cast %reduce_sum3A_349 : vector<128xf32> to vector<128x1xf32>
    %slice3A_351 = vector.extract_strided_slice %get3A_302 {offsets = [3, 0], sizes = [1, 1], strides = [1, 1]} : vector<8x256xf32> to vector<1x1xf32>
    %add3A_352 = vector.broadcast %slice3A_351 : vector<1x1xf32> to vector<128x1xf32>
    %add3A_353 = arith.addf %broadcast_in_dim3A_350, %add3A_352 : vector<128x1xf32>
    %mul3A_354 = vector.broadcast %add3A_353 : vector<128x1xf32> to vector<128x16xf32>
    %mul3A_355 = arith.mulf %convert_element_type3A_322, %mul3A_354 : vector<128x16xf32>
    %reduce_sum3A_356 = arith.constant dense<0.000000e+00> : vector<16xf32>
    %reduce_sum3A_357 = vector.multi_reduction <add>, %mul3A_355, %reduce_sum3A_356 [0] : vector<128x16xf32> to vector<16xf32>
    %broadcast_in_dim3A_358 = vector.shape_cast %reduce_sum3A_357 : vector<16xf32> to vector<1x16xf32>
    %add3A_359 = arith.addf %add3A_297, %broadcast_in_dim3A_358 : vector<1x16xf32>
    %get3A_360 = arith.constant 0 : index
    %get3A_361 = arith.constant 0 : index
    %get3A_362 = arith.constant 0 : index
    %get3A_363 = vector.load %arg24[%get3A_360, %get3A_361, %get3A_362] : memref<1x8x256xf32, #tpu.memory_space<vmem>>, vector<1x8x256xf32>
    %get3A_364 = vector.shape_cast %get3A_363 : vector<1x8x256xf32> to vector<8x256xf32>
    %get3A_365 = arith.constant 768 : index
    %get3A_366 = arith.constant 0 : index
    %get3A_367 = vector.load %arg3[%get3A_365, %get3A_366] : memref<1024x1xi32, #tpu.memory_space<vmem>>, vector<128x1xi32>
    %lt3A_368 = arith.constant 16 : i32
    %lt3A_369 = vector.broadcast %lt3A_368 : i32 to vector<128x1xi32>
    %lt3A_370 = arith.cmpi slt, %get3A_367, %lt3A_369 : vector<128x1xi32>
    %get3A_371 = arith.constant 768 : index
    %get3A_372 = arith.constant 0 : index
    %get3A_373 = vector.load %arg2[%get3A_371, %get3A_372] : memref<1024x128xf32, #tpu.memory_space<vmem>>, vector<128x128xf32>
    %jit3A_374 = arith.constant 0.000000e+00 : f32
    %broadcast_in_dim3A_375 = vector.shape_cast %lt3A_370 : vector<128x1xi1> to vector<128x1xi1>
    %broadcast_in_dim3A_376 = vector.broadcast %broadcast_in_dim3A_375 : vector<128x1xi1> to vector<128x128xi1>
    %broadcast_in_dim3A_377 = vector.broadcast %jit3A_374 : f32 to vector<128x128xf32>
    %select_n3A_378 = arith.select %broadcast_in_dim3A_376, %get3A_373, %broadcast_in_dim3A_377 : vector<128x128xi1>, vector<128x128xf32>
    %iota3A_379 = tpu.iota {dimensions = array<i32: 1>} : vector<1x16xi32>
    %eq3A_380 = vector.broadcast %get3A_367 : vector<128x1xi32> to vector<128x16xi32>
    %eq3A_381 = vector.broadcast %iota3A_379 : vector<1x16xi32> to vector<128x16xi32>
    %eq3A_382 = arith.cmpi eq, %eq3A_380, %eq3A_381 : vector<128x16xi32>
    %convert_element_type3A_383 = arith.extui %eq3A_382 : vector<128x16xi1> to vector<128x16xi32>
    %convert_element_type3A_384 = arith.sitofp %convert_element_type3A_383 : vector<128x16xi32> to vector<128x16xf32>
    %get3A_385 = arith.constant 0 : index
    %get3A_386 = arith.constant 0 : index
    %get3A_387 = arith.constant 0 : index
    %get3A_388 = vector.load %arg22[%get3A_385, %get3A_386, %get3A_387] : memref<1x128x256xf32, #tpu.memory_space<vmem>>, vector<1x128x256xf32>
    %get3A_389 = vector.shape_cast %get3A_388 : vector<1x128x256xf32> to vector<128x256xf32>
    %dot_general3A_390 = arith.constant dense<0.000000e+00> : vector<128x256xf32>
    %dot_general3A_391 = tpu.matmul %select_n3A_378, %get3A_389, %dot_general3A_390 {dimension_numbers = #tpu.dot_dimension_numbers<[1], [0], [0], [1], [0, 0, 1, 1], [], []>, transpose_lhs_hint = false} : vector<128x128xf32>, vector<128x256xf32>, vector<128x256xf32> -> vector<128x256xf32>
    %slice3A_392 = vector.extract_strided_slice %get3A_364 {offsets = [0, 0], sizes = [1, 256], strides = [1, 1]} : vector<8x256xf32> to vector<1x256xf32>
    %add3A_393 = vector.broadcast %slice3A_392 : vector<1x256xf32> to vector<128x256xf32>
    %add3A_394 = arith.addf %dot_general3A_391, %add3A_393 : vector<128x256xf32>
    %tanh3A_395 = math.tanh %add3A_394 : vector<128x256xf32>
    %get3A_396 = arith.constant 0 : index
    %get3A_397 = arith.constant 0 : index
    %get3A_398 = arith.constant 0 : index
    %get3A_399 = vector.load %arg23[%get3A_396, %get3A_397, %get3A_398] : memref<1x256x256xf32, #tpu.memory_space<vmem>>, vector<1x256x256xf32>
    %get3A_400 = vector.shape_cast %get3A_399 : vector<1x256x256xf32> to vector<256x256xf32>
    %dot_general3A_401 = arith.constant dense<0.000000e+00> : vector<128x256xf32>
    %dot_general3A_402 = tpu.matmul %tanh3A_395, %get3A_400, %dot_general3A_401 {dimension_numbers = #tpu.dot_dimension_numbers<[1], [0], [0], [1], [0, 0, 1, 1], [], []>, transpose_lhs_hint = false} : vector<128x256xf32>, vector<256x256xf32>, vector<128x256xf32> -> vector<128x256xf32>
    %slice3A_403 = vector.extract_strided_slice %get3A_364 {offsets = [1, 0], sizes = [1, 256], strides = [1, 1]} : vector<8x256xf32> to vector<1x256xf32>
    %add3A_404 = vector.broadcast %slice3A_403 : vector<1x256xf32> to vector<128x256xf32>
    %add3A_405 = arith.addf %dot_general3A_402, %add3A_404 : vector<128x256xf32>
    %tanh3A_406 = math.tanh %add3A_405 : vector<128x256xf32>
    %slice3A_407 = vector.extract_strided_slice %get3A_364 {offsets = [2, 0], sizes = [1, 256], strides = [1, 1]} : vector<8x256xf32> to vector<1x256xf32>
    %mul3A_408 = vector.broadcast %slice3A_407 : vector<1x256xf32> to vector<128x256xf32>
    %mul3A_409 = arith.mulf %tanh3A_406, %mul3A_408 : vector<128x256xf32>
    %reduce_sum3A_410 = arith.constant dense<0.000000e+00> : vector<128xf32>
    %reduce_sum3A_411 = vector.multi_reduction <add>, %mul3A_409, %reduce_sum3A_410 [1] : vector<128x256xf32> to vector<128xf32>
    %broadcast_in_dim3A_412 = vector.shape_cast %reduce_sum3A_411 : vector<128xf32> to vector<128x1xf32>
    %slice3A_413 = vector.extract_strided_slice %get3A_364 {offsets = [3, 0], sizes = [1, 1], strides = [1, 1]} : vector<8x256xf32> to vector<1x1xf32>
    %add3A_414 = vector.broadcast %slice3A_413 : vector<1x1xf32> to vector<128x1xf32>
    %add3A_415 = arith.addf %broadcast_in_dim3A_412, %add3A_414 : vector<128x1xf32>
    %mul3A_416 = vector.broadcast %add3A_415 : vector<128x1xf32> to vector<128x16xf32>
    %mul3A_417 = arith.mulf %convert_element_type3A_384, %mul3A_416 : vector<128x16xf32>
    %reduce_sum3A_418 = arith.constant dense<0.000000e+00> : vector<16xf32>
    %reduce_sum3A_419 = vector.multi_reduction <add>, %mul3A_417, %reduce_sum3A_418 [0] : vector<128x16xf32> to vector<16xf32>
    %broadcast_in_dim3A_420 = vector.shape_cast %reduce_sum3A_419 : vector<16xf32> to vector<1x16xf32>
    %add3A_421 = arith.addf %add3A_359, %broadcast_in_dim3A_420 : vector<1x16xf32>
    %get3A_422 = arith.constant 0 : index
    %get3A_423 = arith.constant 0 : index
    %get3A_424 = arith.constant 0 : index
    %get3A_425 = vector.load %arg27[%get3A_422, %get3A_423, %get3A_424] : memref<1x8x256xf32, #tpu.memory_space<vmem>>, vector<1x8x256xf32>
    %get3A_426 = vector.shape_cast %get3A_425 : vector<1x8x256xf32> to vector<8x256xf32>
    %get3A_427 = arith.constant 896 : index
    %get3A_428 = arith.constant 0 : index
    %get3A_429 = vector.load %arg3[%get3A_427, %get3A_428] : memref<1024x1xi32, #tpu.memory_space<vmem>>, vector<128x1xi32>
    %lt3A_430 = arith.constant 16 : i32
    %lt3A_431 = vector.broadcast %lt3A_430 : i32 to vector<128x1xi32>
    %lt3A_432 = arith.cmpi slt, %get3A_429, %lt3A_431 : vector<128x1xi32>
    %get3A_433 = arith.constant 896 : index
    %get3A_434 = arith.constant 0 : index
    %get3A_435 = vector.load %arg2[%get3A_433, %get3A_434] : memref<1024x128xf32, #tpu.memory_space<vmem>>, vector<128x128xf32>
    %jit3A_436 = arith.constant 0.000000e+00 : f32
    %broadcast_in_dim3A_437 = vector.shape_cast %lt3A_432 : vector<128x1xi1> to vector<128x1xi1>
    %broadcast_in_dim3A_438 = vector.broadcast %broadcast_in_dim3A_437 : vector<128x1xi1> to vector<128x128xi1>
    %broadcast_in_dim3A_439 = vector.broadcast %jit3A_436 : f32 to vector<128x128xf32>
    %select_n3A_440 = arith.select %broadcast_in_dim3A_438, %get3A_435, %broadcast_in_dim3A_439 : vector<128x128xi1>, vector<128x128xf32>
    %iota3A_441 = tpu.iota {dimensions = array<i32: 1>} : vector<1x16xi32>
    %eq3A_442 = vector.broadcast %get3A_429 : vector<128x1xi32> to vector<128x16xi32>
    %eq3A_443 = vector.broadcast %iota3A_441 : vector<1x16xi32> to vector<128x16xi32>
    %eq3A_444 = arith.cmpi eq, %eq3A_442, %eq3A_443 : vector<128x16xi32>
    %convert_element_type3A_445 = arith.extui %eq3A_444 : vector<128x16xi1> to vector<128x16xi32>
    %convert_element_type3A_446 = arith.sitofp %convert_element_type3A_445 : vector<128x16xi32> to vector<128x16xf32>
    %get3A_447 = arith.constant 0 : index
    %get3A_448 = arith.constant 0 : index
    %get3A_449 = arith.constant 0 : index
    %get3A_450 = vector.load %arg25[%get3A_447, %get3A_448, %get3A_449] : memref<1x128x256xf32, #tpu.memory_space<vmem>>, vector<1x128x256xf32>
    %get3A_451 = vector.shape_cast %get3A_450 : vector<1x128x256xf32> to vector<128x256xf32>
    %dot_general3A_452 = arith.constant dense<0.000000e+00> : vector<128x256xf32>
    %dot_general3A_453 = tpu.matmul %select_n3A_440, %get3A_451, %dot_general3A_452 {dimension_numbers = #tpu.dot_dimension_numbers<[1], [0], [0], [1], [0, 0, 1, 1], [], []>, transpose_lhs_hint = false} : vector<128x128xf32>, vector<128x256xf32>, vector<128x256xf32> -> vector<128x256xf32>
    %slice3A_454 = vector.extract_strided_slice %get3A_426 {offsets = [0, 0], sizes = [1, 256], strides = [1, 1]} : vector<8x256xf32> to vector<1x256xf32>
    %add3A_455 = vector.broadcast %slice3A_454 : vector<1x256xf32> to vector<128x256xf32>
    %add3A_456 = arith.addf %dot_general3A_453, %add3A_455 : vector<128x256xf32>
    %tanh3A_457 = math.tanh %add3A_456 : vector<128x256xf32>
    %get3A_458 = arith.constant 0 : index
    %get3A_459 = arith.constant 0 : index
    %get3A_460 = arith.constant 0 : index
    %get3A_461 = vector.load %arg26[%get3A_458, %get3A_459, %get3A_460] : memref<1x256x256xf32, #tpu.memory_space<vmem>>, vector<1x256x256xf32>
    %get3A_462 = vector.shape_cast %get3A_461 : vector<1x256x256xf32> to vector<256x256xf32>
    %dot_general3A_463 = arith.constant dense<0.000000e+00> : vector<128x256xf32>
    %dot_general3A_464 = tpu.matmul %tanh3A_457, %get3A_462, %dot_general3A_463 {dimension_numbers = #tpu.dot_dimension_numbers<[1], [0], [0], [1], [0, 0, 1, 1], [], []>, transpose_lhs_hint = false} : vector<128x256xf32>, vector<256x256xf32>, vector<128x256xf32> -> vector<128x256xf32>
    %slice3A_465 = vector.extract_strided_slice %get3A_426 {offsets = [1, 0], sizes = [1, 256], strides = [1, 1]} : vector<8x256xf32> to vector<1x256xf32>
    %add3A_466 = vector.broadcast %slice3A_465 : vector<1x256xf32> to vector<128x256xf32>
    %add3A_467 = arith.addf %dot_general3A_464, %add3A_466 : vector<128x256xf32>
    %tanh3A_468 = math.tanh %add3A_467 : vector<128x256xf32>
    %slice3A_469 = vector.extract_strided_slice %get3A_426 {offsets = [2, 0], sizes = [1, 256], strides = [1, 1]} : vector<8x256xf32> to vector<1x256xf32>
    %mul3A_470 = vector.broadcast %slice3A_469 : vector<1x256xf32> to vector<128x256xf32>
    %mul3A_471 = arith.mulf %tanh3A_468, %mul3A_470 : vector<128x256xf32>
    %reduce_sum3A_472 = arith.constant dense<0.000000e+00> : vector<128xf32>
    %reduce_sum3A_473 = vector.multi_reduction <add>, %mul3A_471, %reduce_sum3A_472 [1] : vector<128x256xf32> to vector<128xf32>
    %broadcast_in_dim3A_474 = vector.shape_cast %reduce_sum3A_473 : vector<128xf32> to vector<128x1xf32>
    %slice3A_475 = vector.extract_strided_slice %get3A_426 {offsets = [3, 0], sizes = [1, 1], strides = [1, 1]} : vector<8x256xf32> to vector<1x1xf32>
    %add3A_476 = vector.broadcast %slice3A_475 : vector<1x1xf32> to vector<128x1xf32>
    %add3A_477 = arith.addf %broadcast_in_dim3A_474, %add3A_476 : vector<128x1xf32>
    %mul3A_478 = vector.broadcast %add3A_477 : vector<128x1xf32> to vector<128x16xf32>
    %mul3A_479 = arith.mulf %convert_element_type3A_446, %mul3A_478 : vector<128x16xf32>
    %reduce_sum3A_480 = arith.constant dense<0.000000e+00> : vector<16xf32>
    %reduce_sum3A_481 = vector.multi_reduction <add>, %mul3A_479, %reduce_sum3A_480 [0] : vector<128x16xf32> to vector<16xf32>
    %broadcast_in_dim3A_482 = vector.shape_cast %reduce_sum3A_481 : vector<16xf32> to vector<1x16xf32>
    %add3A_483 = arith.addf %add3A_421, %broadcast_in_dim3A_482 : vector<1x16xf32>
    %eq3A_484 = arith.constant 0 : i32
    %eq3A_485 = arith.cmpi eq, %arg0, %eq3A_484 : i32
    %convert_element_type3A_486 = arith.extui %eq3A_485 : i1 to i32
    %cond3A = arith.constant 0 : i32
    %cond3A_487 = arith.cmpi ne, %convert_element_type3A_486, %cond3A : i32
    scf.if %cond3A_487 {
      %broadcast_in_dim3A_496 = arith.constant 0.000000e+00 : f32
      %broadcast_in_dim3A_497 = vector.broadcast %broadcast_in_dim3A_496 : f32 to vector<8x16xf32>
      %swap3A_498 = arith.constant 0 : index
      %swap3A_499 = arith.constant 0 : index
      %swap3A_500 = vector.load %arg28[%swap3A_498, %swap3A_499] : memref<8x16xf32, #tpu.memory_space<vmem>>, vector<8x16xf32>
      tpu.vector_store %arg28[%swap3A_498, %swap3A_499], %broadcast_in_dim3A_497 {strides = array<i32>} : memref<8x16xf32, #tpu.memory_space<vmem>>, vector<8x16xf32>,
    } else {
    }
    %get3A_488 = arith.constant 0 : index
    %get3A_489 = arith.constant 0 : index
    %get3A_490 = vector.load %arg28[%get3A_488, %get3A_489] : memref<8x16xf32, #tpu.memory_space<vmem>>, vector<8x16xf32>
    %broadcast_in_dim3A_491 = vector.shape_cast %add3A_483 : vector<1x16xf32> to vector<1x16xf32>
    %broadcast_in_dim3A_492 = vector.broadcast %broadcast_in_dim3A_491 : vector<1x16xf32> to vector<8x16xf32>
    %add3A_493 = arith.addf %get3A_490, %broadcast_in_dim3A_492 : vector<8x16xf32>
    %swap3A = arith.constant 0 : index
    %swap3A_494 = arith.constant 0 : index
    %swap3A_495 = vector.load %arg28[%swap3A, %swap3A_494] : memref<8x16xf32, #tpu.memory_space<vmem>>, vector<8x16xf32>
    tpu.vector_store %arg28[%swap3A, %swap3A_494], %add3A_493 {strides = array<i32>} : memref<8x16xf32, #tpu.memory_space<vmem>>, vector<8x16xf32>,
    return
  }
  func.func @transform_0(%arg0: i32, %arg1: memref<72xi32, #tpu.memory_space<smem>>) -> (i32, i32) {
    %c0_i32 = arith.constant 0 : i32
    %c0_i32_0 = arith.constant 0 : i32
    return %arg0, %c0_i32 : i32, i32
  }
  func.func @transform_1(%arg0: i32, %arg1: memref<72xi32, #tpu.memory_space<smem>>) -> (i32, i32) {
    %c0_i32 = arith.constant 0 : i32
    %c0_i32_0 = arith.constant 0 : i32
    return %arg0, %c0_i32 : i32, i32
  }
  func.func @transform_2(%arg0: i32, %arg1: memref<72xi32, #tpu.memory_space<smem>>) -> (i32, i32, i32) {
    %mul3A = arith.constant 8 : i32
    %mul3A_0 = arith.muli %mul3A, %arg0 : i32
    %add3A = arith.constant 0 : i32
    %add3A_1 = arith.addi %mul3A_0, %add3A : i32
    %get3A = arith.index_cast %add3A_1 : i32 to index
    %get3A_2 = memref.load %arg1[%get3A] : memref<72xi32, #tpu.memory_space<smem>>
    %c0_i32 = arith.constant 0 : i32
    %c0_i32_3 = arith.constant 0 : i32
    %c0_i32_4 = arith.constant 0 : i32
    return %get3A_2, %c0_i32, %c0_i32_3 : i32, i32, i32
  }
  func.func @transform_3(%arg0: i32, %arg1: memref<72xi32, #tpu.memory_space<smem>>) -> (i32, i32, i32) {
    %mul3A = arith.constant 8 : i32
    %mul3A_0 = arith.muli %mul3A, %arg0 : i32
    %add3A = arith.constant 0 : i32
    %add3A_1 = arith.addi %mul3A_0, %add3A : i32
    %get3A = arith.index_cast %add3A_1 : i32 to index
    %get3A_2 = memref.load %arg1[%get3A] : memref<72xi32, #tpu.memory_space<smem>>
    %c0_i32 = arith.constant 0 : i32
    %c0_i32_3 = arith.constant 0 : i32
    %c0_i32_4 = arith.constant 0 : i32
    return %get3A_2, %c0_i32, %c0_i32_3 : i32, i32, i32
  }
  func.func @transform_4(%arg0: i32, %arg1: memref<72xi32, #tpu.memory_space<smem>>) -> (i32, i32, i32) {
    %mul3A = arith.constant 8 : i32
    %mul3A_0 = arith.muli %mul3A, %arg0 : i32
    %add3A = arith.constant 0 : i32
    %add3A_1 = arith.addi %mul3A_0, %add3A : i32
    %get3A = arith.index_cast %add3A_1 : i32 to index
    %get3A_2 = memref.load %arg1[%get3A] : memref<72xi32, #tpu.memory_space<smem>>
    %c0_i32 = arith.constant 0 : i32
    %c0_i32_3 = arith.constant 0 : i32
    %c0_i32_4 = arith.constant 0 : i32
    return %get3A_2, %c0_i32, %c0_i32_3 : i32, i32, i32
  }
  func.func @transform_5(%arg0: i32, %arg1: memref<72xi32, #tpu.memory_space<smem>>) -> (i32, i32, i32) {
    %mul3A = arith.constant 8 : i32
    %mul3A_0 = arith.muli %mul3A, %arg0 : i32
    %add3A = arith.constant 1 : i32
    %add3A_1 = arith.addi %mul3A_0, %add3A : i32
    %get3A = arith.index_cast %add3A_1 : i32 to index
    %get3A_2 = memref.load %arg1[%get3A] : memref<72xi32, #tpu.memory_space<smem>>
    %c0_i32 = arith.constant 0 : i32
    %c0_i32_3 = arith.constant 0 : i32
    %c0_i32_4 = arith.constant 0 : i32
    return %get3A_2, %c0_i32, %c0_i32_3 : i32, i32, i32
  }
  func.func @transform_6(%arg0: i32, %arg1: memref<72xi32, #tpu.memory_space<smem>>) -> (i32, i32, i32) {
    %mul3A = arith.constant 8 : i32
    %mul3A_0 = arith.muli %mul3A, %arg0 : i32
    %add3A = arith.constant 1 : i32
    %add3A_1 = arith.addi %mul3A_0, %add3A : i32
    %get3A = arith.index_cast %add3A_1 : i32 to index
    %get3A_2 = memref.load %arg1[%get3A] : memref<72xi32, #tpu.memory_space<smem>>
    %c0_i32 = arith.constant 0 : i32
    %c0_i32_3 = arith.constant 0 : i32
    %c0_i32_4 = arith.constant 0 : i32
    return %get3A_2, %c0_i32, %c0_i32_3 : i32, i32, i32
  }
  func.func @transform_7(%arg0: i32, %arg1: memref<72xi32, #tpu.memory_space<smem>>) -> (i32, i32, i32) {
    %mul3A = arith.constant 8 : i32
    %mul3A_0 = arith.muli %mul3A, %arg0 : i32
    %add3A = arith.constant 1 : i32
    %add3A_1 = arith.addi %mul3A_0, %add3A : i32
    %get3A = arith.index_cast %add3A_1 : i32 to index
    %get3A_2 = memref.load %arg1[%get3A] : memref<72xi32, #tpu.memory_space<smem>>
    %c0_i32 = arith.constant 0 : i32
    %c0_i32_3 = arith.constant 0 : i32
    %c0_i32_4 = arith.constant 0 : i32
    return %get3A_2, %c0_i32, %c0_i32_3 : i32, i32, i32
  }
  func.func @transform_8(%arg0: i32, %arg1: memref<72xi32, #tpu.memory_space<smem>>) -> (i32, i32, i32) {
    %mul3A = arith.constant 8 : i32
    %mul3A_0 = arith.muli %mul3A, %arg0 : i32
    %add3A = arith.constant 2 : i32
    %add3A_1 = arith.addi %mul3A_0, %add3A : i32
    %get3A = arith.index_cast %add3A_1 : i32 to index
    %get3A_2 = memref.load %arg1[%get3A] : memref<72xi32, #tpu.memory_space<smem>>
    %c0_i32 = arith.constant 0 : i32
    %c0_i32_3 = arith.constant 0 : i32
    %c0_i32_4 = arith.constant 0 : i32
    return %get3A_2, %c0_i32, %c0_i32_3 : i32, i32, i32
  }
  func.func @transform_9(%arg0: i32, %arg1: memref<72xi32, #tpu.memory_space<smem>>) -> (i32, i32, i32) {
    %mul3A = arith.constant 8 : i32
    %mul3A_0 = arith.muli %mul3A, %arg0 : i32
    %add3A = arith.constant 2 : i32
    %add3A_1 = arith.addi %mul3A_0, %add3A : i32
    %get3A = arith.index_cast %add3A_1 : i32 to index
    %get3A_2 = memref.load %arg1[%get3A] : memref<72xi32, #tpu.memory_space<smem>>
    %c0_i32 = arith.constant 0 : i32
    %c0_i32_3 = arith.constant 0 : i32
    %c0_i32_4 = arith.constant 0 : i32
    return %get3A_2, %c0_i32, %c0_i32_3 : i32, i32, i32
  }
  func.func @transform_10(%arg0: i32, %arg1: memref<72xi32, #tpu.memory_space<smem>>) -> (i32, i32, i32) {
    %mul3A = arith.constant 8 : i32
    %mul3A_0 = arith.muli %mul3A, %arg0 : i32
    %add3A = arith.constant 2 : i32
    %add3A_1 = arith.addi %mul3A_0, %add3A : i32
    %get3A = arith.index_cast %add3A_1 : i32 to index
    %get3A_2 = memref.load %arg1[%get3A] : memref<72xi32, #tpu.memory_space<smem>>
    %c0_i32 = arith.constant 0 : i32
    %c0_i32_3 = arith.constant 0 : i32
    %c0_i32_4 = arith.constant 0 : i32
    return %get3A_2, %c0_i32, %c0_i32_3 : i32, i32, i32
  }
  func.func @transform_11(%arg0: i32, %arg1: memref<72xi32, #tpu.memory_space<smem>>) -> (i32, i32, i32) {
    %mul3A = arith.constant 8 : i32
    %mul3A_0 = arith.muli %mul3A, %arg0 : i32
    %add3A = arith.constant 3 : i32
    %add3A_1 = arith.addi %mul3A_0, %add3A : i32
    %get3A = arith.index_cast %add3A_1 : i32 to index
    %get3A_2 = memref.load %arg1[%get3A] : memref<72xi32, #tpu.memory_space<smem>>
    %c0_i32 = arith.constant 0 : i32
    %c0_i32_3 = arith.constant 0 : i32
    %c0_i32_4 = arith.constant 0 : i32
    return %get3A_2, %c0_i32, %c0_i32_3 : i32, i32, i32
  }
  func.func @transform_12(%arg0: i32, %arg1: memref<72xi32, #tpu.memory_space<smem>>) -> (i32, i32, i32) {
    %mul3A = arith.constant 8 : i32
    %mul3A_0 = arith.muli %mul3A, %arg0 : i32
    %add3A = arith.constant 3 : i32
    %add3A_1 = arith.addi %mul3A_0, %add3A : i32
    %get3A = arith.index_cast %add3A_1 : i32 to index
    %get3A_2 = memref.load %arg1[%get3A] : memref<72xi32, #tpu.memory_space<smem>>
    %c0_i32 = arith.constant 0 : i32
    %c0_i32_3 = arith.constant 0 : i32
    %c0_i32_4 = arith.constant 0 : i32
    return %get3A_2, %c0_i32, %c0_i32_3 : i32, i32, i32
  }
  func.func @transform_13(%arg0: i32, %arg1: memref<72xi32, #tpu.memory_space<smem>>) -> (i32, i32, i32) {
    %mul3A = arith.constant 8 : i32
    %mul3A_0 = arith.muli %mul3A, %arg0 : i32
    %add3A = arith.constant 3 : i32
    %add3A_1 = arith.addi %mul3A_0, %add3A : i32
    %get3A = arith.index_cast %add3A_1 : i32 to index
    %get3A_2 = memref.load %arg1[%get3A] : memref<72xi32, #tpu.memory_space<smem>>
    %c0_i32 = arith.constant 0 : i32
    %c0_i32_3 = arith.constant 0 : i32
    %c0_i32_4 = arith.constant 0 : i32
    return %get3A_2, %c0_i32, %c0_i32_3 : i32, i32, i32
  }
  func.func @transform_14(%arg0: i32, %arg1: memref<72xi32, #tpu.memory_space<smem>>) -> (i32, i32, i32) {
    %mul3A = arith.constant 8 : i32
    %mul3A_0 = arith.muli %mul3A, %arg0 : i32
    %add3A = arith.constant 4 : i32
    %add3A_1 = arith.addi %mul3A_0, %add3A : i32
    %get3A = arith.index_cast %add3A_1 : i32 to index
    %get3A_2 = memref.load %arg1[%get3A] : memref<72xi32, #tpu.memory_space<smem>>
    %c0_i32 = arith.constant 0 : i32
    %c0_i32_3 = arith.constant 0 : i32
    %c0_i32_4 = arith.constant 0 : i32
    return %get3A_2, %c0_i32, %c0_i32_3 : i32, i32, i32
  }
  func.func @transform_15(%arg0: i32, %arg1: memref<72xi32, #tpu.memory_space<smem>>) -> (i32, i32, i32) {
    %mul3A = arith.constant 8 : i32
    %mul3A_0 = arith.muli %mul3A, %arg0 : i32
    %add3A = arith.constant 4 : i32
    %add3A_1 = arith.addi %mul3A_0, %add3A : i32
    %get3A = arith.index_cast %add3A_1 : i32 to index
    %get3A_2 = memref.load %arg1[%get3A] : memref<72xi32, #tpu.memory_space<smem>>
    %c0_i32 = arith.constant 0 : i32
    %c0_i32_3 = arith.constant 0 : i32
    %c0_i32_4 = arith.constant 0 : i32
    return %get3A_2, %c0_i32, %c0_i32_3 : i32, i32, i32
  }
  func.func @transform_16(%arg0: i32, %arg1: memref<72xi32, #tpu.memory_space<smem>>) -> (i32, i32, i32) {
    %mul3A = arith.constant 8 : i32
    %mul3A_0 = arith.muli %mul3A, %arg0 : i32
    %add3A = arith.constant 4 : i32
    %add3A_1 = arith.addi %mul3A_0, %add3A : i32
    %get3A = arith.index_cast %add3A_1 : i32 to index
    %get3A_2 = memref.load %arg1[%get3A] : memref<72xi32, #tpu.memory_space<smem>>
    %c0_i32 = arith.constant 0 : i32
    %c0_i32_3 = arith.constant 0 : i32
    %c0_i32_4 = arith.constant 0 : i32
    return %get3A_2, %c0_i32, %c0_i32_3 : i32, i32, i32
  }
  func.func @transform_17(%arg0: i32, %arg1: memref<72xi32, #tpu.memory_space<smem>>) -> (i32, i32, i32) {
    %mul3A = arith.constant 8 : i32
    %mul3A_0 = arith.muli %mul3A, %arg0 : i32
    %add3A = arith.constant 5 : i32
    %add3A_1 = arith.addi %mul3A_0, %add3A : i32
    %get3A = arith.index_cast %add3A_1 : i32 to index
    %get3A_2 = memref.load %arg1[%get3A] : memref<72xi32, #tpu.memory_space<smem>>
    %c0_i32 = arith.constant 0 : i32
    %c0_i32_3 = arith.constant 0 : i32
    %c0_i32_4 = arith.constant 0 : i32
    return %get3A_2, %c0_i32, %c0_i32_3 : i32, i32, i32
  }
  func.func @transform_18(%arg0: i32, %arg1: memref<72xi32, #tpu.memory_space<smem>>) -> (i32, i32, i32) {
    %mul3A = arith.constant 8 : i32
    %mul3A_0 = arith.muli %mul3A, %arg0 : i32
    %add3A = arith.constant 5 : i32
    %add3A_1 = arith.addi %mul3A_0, %add3A : i32
    %get3A = arith.index_cast %add3A_1 : i32 to index
    %get3A_2 = memref.load %arg1[%get3A] : memref<72xi32, #tpu.memory_space<smem>>
    %c0_i32 = arith.constant 0 : i32
    %c0_i32_3 = arith.constant 0 : i32
    %c0_i32_4 = arith.constant 0 : i32
    return %get3A_2, %c0_i32, %c0_i32_3 : i32, i32, i32
  }
  func.func @transform_19(%arg0: i32, %arg1: memref<72xi32, #tpu.memory_space<smem>>) -> (i32, i32, i32) {
    %mul3A = arith.constant 8 : i32
    %mul3A_0 = arith.muli %mul3A, %arg0 : i32
    %add3A = arith.constant 5 : i32
    %add3A_1 = arith.addi %mul3A_0, %add3A : i32
    %get3A = arith.index_cast %add3A_1 : i32 to index
    %get3A_2 = memref.load %arg1[%get3A] : memref<72xi32, #tpu.memory_space<smem>>
    %c0_i32 = arith.constant 0 : i32
    %c0_i32_3 = arith.constant 0 : i32
    %c0_i32_4 = arith.constant 0 : i32
    return %get3A_2, %c0_i32, %c0_i32_3 : i32, i32, i32
  }
  func.func @transform_20(%arg0: i32, %arg1: memref<72xi32, #tpu.memory_space<smem>>) -> (i32, i32, i32) {
    %mul3A = arith.constant 8 : i32
    %mul3A_0 = arith.muli %mul3A, %arg0 : i32
    %add3A = arith.constant 6 : i32
    %add3A_1 = arith.addi %mul3A_0, %add3A : i32
    %get3A = arith.index_cast %add3A_1 : i32 to index
    %get3A_2 = memref.load %arg1[%get3A] : memref<72xi32, #tpu.memory_space<smem>>
    %c0_i32 = arith.constant 0 : i32
    %c0_i32_3 = arith.constant 0 : i32
    %c0_i32_4 = arith.constant 0 : i32
    return %get3A_2, %c0_i32, %c0_i32_3 : i32, i32, i32
  }
  func.func @transform_21(%arg0: i32, %arg1: memref<72xi32, #tpu.memory_space<smem>>) -> (i32, i32, i32) {
    %mul3A = arith.constant 8 : i32
    %mul3A_0 = arith.muli %mul3A, %arg0 : i32
    %add3A = arith.constant 6 : i32
    %add3A_1 = arith.addi %mul3A_0, %add3A : i32
    %get3A = arith.index_cast %add3A_1 : i32 to index
    %get3A_2 = memref.load %arg1[%get3A] : memref<72xi32, #tpu.memory_space<smem>>
    %c0_i32 = arith.constant 0 : i32
    %c0_i32_3 = arith.constant 0 : i32
    %c0_i32_4 = arith.constant 0 : i32
    return %get3A_2, %c0_i32, %c0_i32_3 : i32, i32, i32
  }
  func.func @transform_22(%arg0: i32, %arg1: memref<72xi32, #tpu.memory_space<smem>>) -> (i32, i32, i32) {
    %mul3A = arith.constant 8 : i32
    %mul3A_0 = arith.muli %mul3A, %arg0 : i32
    %add3A = arith.constant 6 : i32
    %add3A_1 = arith.addi %mul3A_0, %add3A : i32
    %get3A = arith.index_cast %add3A_1 : i32 to index
    %get3A_2 = memref.load %arg1[%get3A] : memref<72xi32, #tpu.memory_space<smem>>
    %c0_i32 = arith.constant 0 : i32
    %c0_i32_3 = arith.constant 0 : i32
    %c0_i32_4 = arith.constant 0 : i32
    return %get3A_2, %c0_i32, %c0_i32_3 : i32, i32, i32
  }
  func.func @transform_23(%arg0: i32, %arg1: memref<72xi32, #tpu.memory_space<smem>>) -> (i32, i32, i32) {
    %mul3A = arith.constant 8 : i32
    %mul3A_0 = arith.muli %mul3A, %arg0 : i32
    %add3A = arith.constant 7 : i32
    %add3A_1 = arith.addi %mul3A_0, %add3A : i32
    %get3A = arith.index_cast %add3A_1 : i32 to index
    %get3A_2 = memref.load %arg1[%get3A] : memref<72xi32, #tpu.memory_space<smem>>
    %c0_i32 = arith.constant 0 : i32
    %c0_i32_3 = arith.constant 0 : i32
    %c0_i32_4 = arith.constant 0 : i32
    return %get3A_2, %c0_i32, %c0_i32_3 : i32, i32, i32
  }
  func.func @transform_24(%arg0: i32, %arg1: memref<72xi32, #tpu.memory_space<smem>>) -> (i32, i32, i32) {
    %mul3A = arith.constant 8 : i32
    %mul3A_0 = arith.muli %mul3A, %arg0 : i32
    %add3A = arith.constant 7 : i32
    %add3A_1 = arith.addi %mul3A_0, %add3A : i32
    %get3A = arith.index_cast %add3A_1 : i32 to index
    %get3A_2 = memref.load %arg1[%get3A] : memref<72xi32, #tpu.memory_space<smem>>
    %c0_i32 = arith.constant 0 : i32
    %c0_i32_3 = arith.constant 0 : i32
    %c0_i32_4 = arith.constant 0 : i32
    return %get3A_2, %c0_i32, %c0_i32_3 : i32, i32, i32
  }
  func.func @transform_25(%arg0: i32, %arg1: memref<72xi32, #tpu.memory_space<smem>>) -> (i32, i32, i32) {
    %mul3A = arith.constant 8 : i32
    %mul3A_0 = arith.muli %mul3A, %arg0 : i32
    %add3A = arith.constant 7 : i32
    %add3A_1 = arith.addi %mul3A_0, %add3A : i32
    %get3A = arith.index_cast %add3A_1 : i32 to index
    %get3A_2 = memref.load %arg1[%get3A] : memref<72xi32, #tpu.memory_space<smem>>
    %c0_i32 = arith.constant 0 : i32
    %c0_i32_3 = arith.constant 0 : i32
    %c0_i32_4 = arith.constant 0 : i32
    return %get3A_2, %c0_i32, %c0_i32_3 : i32, i32, i32
  }
  func.func @transform_26(%arg0: i32, %arg1: memref<72xi32, #tpu.memory_space<smem>>) -> (i32, i32) {
    %c0_i32 = arith.constant 0 : i32
    %c0_i32_0 = arith.constant 0 : i32
    %c0_i32_1 = arith.constant 0 : i32
    return %c0_i32, %c0_i32_0 : i32, i32
  }
}

</mosaic_0001>

<sc_bundles>
// kernel: kernel.5.cloned.1.call-start
scs
__scs_entry_jumppad:
0x0: {  	(pc) =	sbr.rel $0x88, $3  }
0x1: {  	(tag) =	ssettag $0x0;
	lr =	simm.s32 $0x1  }
0x2: {  	[smem:$0x3F99] =	sst lr;
	_ =	strace $0xD0000000  }
0x3: {  	_ = 	snop  }
0x4: {  	_ = 	snop  }
0x5: {  	_ = 	snop  }
0x6: {  	_ = 	snop  }
0x7: {  	_ = 	snop  }
__scs_overlays_trampoline_lowered:
0x8: {  	[smem:$0x3FA8] =	sst s0  }
0x9: {  	[smem:$0x3FA9] =	sst s1  }
0xa: {  	[smem:$0x3FAA] =	sst s2  }
0xb: {  	[smem:$0x3FAB] =	sst s3  }
0xc: {  	[smem:$0x3FAC] =	sst s4  }
0xd: {  	[smem:$0x3FAD] =	sst s5  }
0xe: {  	[smem:$0x3FAE] =	sst s6  }
0xf: {  	[smem:$0x3FAF] =	sst s7  }
0x10: {  	[smem:$0x3FB0] =	sst s8  }
0x11: {  	[smem:$0x3FB1] =	sst s9;
	s0 =	simm.s32 @!p0 $0x0  }
0x12: {  	s1 =	sld [smem:$0x3F97];
	s0 =	simm.s32 @p0 $0x1  }
0x13: {  	[smem:$0x3FB2] =	sst s0;
	s0 =	simm.s32 @!p1 $0x0  }
0x14: {  	s2 =	sld [smem:$0x3F96];
	s0 =	simm.s32 @p1 $0x1  }
0x15: {  	[smem:$0x3FB3] =	sst s0;
	s0 =	simm.s32 @!p2 $0x0  }
0x16: {  	s3 =	sld [smem:$0x3FDB];
	s0 =	simm.s32 @p2 $0x1  }
0x17: {  	s4 =	simm.s32 $0x1BF5;
	[smem:$0x3FB5] =	sst s0  }
0x18: {  	s0 =	sld [smem:$0x3F98];
	_ =	swait.ge [sflag:s4], $0x0  }
0x19: {  	s7 =	sld [smem:$0x3F99]  }
0x1a: {  	s8 =	sadd.s32 $0xFFFFE003, lr  }
0x1b: {  	s9 =	sadd.s32 $0xFFFFFEF7, lr;
	s5 =	simm.s32 $0xFFFFFFFF;
	p2 =	slt.u32 s8, $0xFFFFF086  }
0x1c: {  	p1 =	slt.u32 s9, $0xF7A;
	s5 =	simm.s32 @!p2 $0x0  }
0x1d: {  	s5 =	simm.s32 @p1 $0x1;
	p0 =	seq.s32 s7, s2  }
0x1e: {  	s7 =	smul.u32 @!p0 $0xF7A, s2;
	p2 =	seq.s32 @!p0 s5, $0x0  }
0x1f: {  	s9 =	smul.u32 $0xF7A, s1;
	s8 =	simm.s32 @!p0 $0x1BF5;
	p2 =	por !p2, p0  }
0x20: {  	[sflag:s8] =	ssyncset.s32 @!p0 $0xFFFFF086;
	s6 =	sadd.s32 @!p0 s3, s7;
	s7 =	simm.s32 @!p0 $0x108  }
0x21: {  	s3 =	sadd.s32 s3, s9;
	s6 =	sadd.s32 @!p0 $0x88, s6;
	s7 =	simm.s32 @p2 $0x1082  }
0x22: {  	[simem:s7], [sflag:s8] =	dma.local @!p0 [hbm:s6], $0xF7A  }
0x23: {  	s9 =	sor.u32 $0xD0000000, s2;
	s6 =	simm.s32 $0x108;
	_ =	swait.ge @!p0 [sflag:s8], $0x0  }
0x24: {  	s3 =	sadd.s32 $0x88, s3;
	s6 =	simm.s32 @!p1 $0x1082;
	[sflag:s4] =	ssyncset.s32 $0xFFFFF086  }
0x25: {  	[simem:s6], [sflag:s4] =	dma.local [hbm:s3], $0xF7A  }
0x26: {  	[smem:$0x3F99] =	sst s1;
	(tag) =	ssettag s2;
	_ =	strace s9  }
0x27: {  	s1 =	sld [smem:$0x3FA9]  }
0x28: {  	s2 =	sld [smem:$0x3FAA]  }
0x29: {  	s4 =	sld [smem:$0x3FAC]  }
0x2a: {  	p0 =	seq.s32 s5, $0x0;
	s5 =	sld [smem:$0x3FAD]  }
0x2b: {  	s6 =	sld [smem:$0x3FAE]  }
0x2c: {  	s7 =	sld [smem:$0x3FAF]  }
0x2d: {  	s3 =	simm.s32 $0x108;
	s8 =	sld [smem:$0x3FB0]  }
0x2e: {  	s3 =	simm.s32 @!p0 $0x1082;
	s9 =	sld [smem:$0x3FB1]  }
0x2f: {  	lr =	sadd.s32 s0, s3;
	s0 =	sld [smem:$0x3FA8]  }
0x30: {  	s3 =	sld [smem:$0x3FAB]  }
0x31: {  	[smem:$0x3FB4] =	sst s10  }
0x32: {  	s10 =	sld [smem:$0x3FB2];
	_ =	sdelay $0x3  }
0x33: {  	p0 =	seq.s32 s10, $0x1;
	s10 =	sld [smem:$0x3FB4];
	_ =	sdelay $0x3  }
0x34: {  	[smem:$0x3FB4] =	sst s10  }
0x35: {  	s10 =	sld [smem:$0x3FB3];
	_ =	sdelay $0x3  }
0x36: {  	p1 =	seq.s32 s10, $0x1;
	s10 =	sld [smem:$0x3FB4];
	_ =	sdelay $0x3  }
0x37: {  	[smem:$0x3FB4] =	sst s10  }
0x38: {  	s10 =	sld [smem:$0x3FB5]  }
0x39: {  	_ = 	snop;
	(pc) =	sbr.ind lr, $3  }
0x3a: {  	_ = 	snop  }
0x3b: {  	_ = 	snop  }
0x3c: {  	p2 =	seq.s32 s10, $0x1;
	s10 =	sld [smem:$0x3FB4]  }
0x3d: {  	_ =	shalt  }
0x3e: {  	_ =	shalt  }
0x3f: {  	_ =	shalt  }
0x40: {  	_ =	shalt  }
0x41: {  	_ =	shalt  }
0x42: {  	_ =	shalt  }
0x43: {  	_ =	shalt  }
0x44: {  	_ =	shalt  }
0x45: {  	_ =	shalt  }
0x46: {  	_ =	shalt  }
0x47: {  	_ =	shalt  }
0x48: {  	_ =	shalt  }
0x49: {  	_ =	shalt  }
0x4a: {  	_ =	shalt  }
0x4b: {  	_ =	shalt  }
0x4c: {  	_ =	shalt  }
0x4d: {  	_ =	shalt  }
0x4e: {  	_ =	shalt  }
0x4f: {  	_ =	shalt  }
0x50: {  	_ =	shalt  }
0x51: {  	_ =	shalt  }
0x52: {  	_ =	shalt  }
0x53: {  	_ =	shalt  }
0x54: {  	_ =	shalt  }
0x55: {  	_ =	shalt  }
0x56: {  	_ =	shalt  }
0x57: {  	_ =	shalt  }
0x58: {  	_ =	shalt  }
0x59: {  	_ =	shalt  }
0x5a: {  	_ =	shalt  }
0x5b: {  	_ =	shalt  }
0x5c: {  	_ =	shalt  }
0x5d: {  	_ =	shalt  }
0x5e: {  	_ =	shalt  }
0x5f: {  	_ =	shalt  }
0x60: {  	_ =	shalt  }
0x61: {  	_ =	shalt  }
0x62: {  	_ =	shalt  }
0x63: {  	_ =	shalt  }
0x64: {  	_ =	shalt  }
0x65: {  	_ =	shalt  }
0x66: {  	_ =	shalt  }
0x67: {  	_ =	shalt  }
0x68: {  	_ =	shalt  }
0x69: {  	_ =	shalt  }
0x6a: {  	_ =	shalt  }
0x6b: {  	_ =	shalt  }
0x6c: {  	_ =	shalt  }
0x6d: {  	_ =	shalt  }
0x6e: {  	_ =	shalt  }
0x6f: {  	_ =	shalt  }
0x70: {  	_ =	shalt  }
0x71: {  	_ =	shalt  }
0x72: {  	_ =	shalt  }
0x73: {  	_ =	shalt  }
0x74: {  	_ =	shalt  }
0x75: {  	_ =	shalt  }
0x76: {  	_ =	shalt  }
0x77: {  	_ =	shalt  }
0x78: {  	_ =	shalt  }
0x79: {  	_ =	shalt  }
0x7a: {  	_ =	shalt  }
0x7b: {  	_ =	shalt  }
0x7c: {  	_ =	shalt  }
0x7d: {  	_ =	shalt  }
0x7e: {  	_ =	shalt  }
0x7f: {  	_ =	shalt  }
0x80: {  	_ =	shalt  }
0x81: {  	_ =	shalt  }
0x82: {  	_ =	shalt  }
0x83: {  	_ =	shalt  }
0x84: {  	_ =	shalt  }
0x85: {  	_ =	shalt  }
0x86: {  	_ =	shalt  }
0x87: {  	_ =	shalt  }
.Lfunc_end0:
.L_simem_size_0:
called_computation_lowered:
.L_overlay_start_0:
0x88: {  	s2 =	sld [smem:$0x3FD9]  }
0x89: {  	s3 =	sld [smem:$0x3FFE];
	_ =	sdelay $0x1  }
0x8a: {  	s1 =	srdreg.scid  }
0x8b: {  	s0 =	sand.u32 $0x1, s1  }
0x8c: {  	s17 =	sshll.u32 s0, $0xA;
	s2 =	sadd.s32 s3, s2  }
0x8d: {  	s2 =	sadd.s32 s2, s17  }
0x8e: {  	[smem:$0x3FC0] =	sst s2  }
0x8f: {  	_ = 	snop  }
0x90: {  	s2 =	sld [smem:$0x3FC9];
	(tm) =	ssettm $0x1  }
0x91: {  	s18 =	sld [smem:$0x3FFB];
	_ =	sdelay $0x3  }
0x92: {  	_ =	strace s18  }
0x93: {  	s3 =	sld [smem:$0x3FFC];
	_ =	sdelay $0x3  }
0x94: {  	_ =	strace s3  }
0x95: {  	s3 =	sld [smem:$0x3FFD];
	_ =	sdelay $0x3  }
0x96: {  	_ =	strace s3  }
0x97: {  	_ =	strace $0x8FFFFFFF  }
0x98: {  	s19 =	sld [smem:$0x3FDB];
	_ =	sdelay $0x1  }
0x99: {  	s4 =	simm.s32 $_scs_section_size  }
0x9a: {  	s5 =	simm.s32 $_size__tile_overlayer_lowered;
	s6 =	simm.s32 $_tile_overlayer_lowered  }
0x9b: {  	s22 =	simm.s32 $0x1BFF;
	s21 =	sshll.u32 s6, $0x1;
	s3 =	sadd.s32 s4, s19  }
0x9c: {  	s7 =	simm.s32 $0x0;
	s20 =	sshll.u32 s5, $0x1;
	s5 =	sadd.s32 s21, s3  }
0x9d: {  	[timem:s7], [sflag:s22] =	dma.local [hbm:s5], s20  }
0x9e: {  	_ =	swait.ge [sflag:s22], s20  }
0x9f: {  	s4 =	ssub.s32 $0x0, s20;
	[sflag:s22] =	ssyncset.done $0x0  }
0xa0: {  	[sflag:s22] =	ssyncadd.s32 s4;
	_ =	sdelay $0x1  }
0xa1: {  	s23 =	simm.s32 $0x1B8B  }
0xa2: {  	_ =	swait.ge [sflag:s23], $0x1  }
0xa3: {  	[sflag:s23] =	ssyncset.done $0x0  }
0xa4: {  	s25 =	simm.s32 $0x1B8E;
	s24 =	sld [smem:$0x3FFE];
	[sflag:s23] =	ssyncadd.s32 $0xFFFFFFFF  }
0xa5: {  	s26 =	simm.s32 $execute0_lowered;
	[smem:$0x3FD2] =	sst s25  }
0xa6: {  	s5 =	sshll.u32 s26, $0x1;
	_ =	strace $0x80000046;
	[dreg:$0x1] =	wrdreg $0xFFFFFFFF  }
0xa7: {  	s28 =	simm.s32 $_size_execute0_lowered;
	s3 =	sadd.s32 s3, s5;
	[dreg:$0x0] =	wrdreg $0x0  }
0xa8: {  	s5 =	sshll.u32 s28, $0x1;
	[dreg:$0x2] =	wrdreg s3  }
0xa9: {  	[dreg:$0x3] =	wrdreg s5  }
0xaa: {  	[dreg:$0x4] =	wrdreg $0xC0  }
0xab: {  	_ =	task [dreg:s7], $0x5FFFF  }
0xac: {  	[dreg:$0x1] =	wrdreg $0xFFFFFFFF  }
0xad: {  	[dreg:$0x0] =	wrdreg $0x60  }
0xae: {  	[dreg:$0x2] =	wrdreg s24  }
0xaf: {  	[dreg:$0x3] =	wrdreg s2  }
0xb0: {  	[dreg:$0x4] =	wrdreg $0x88000  }
0xb1: {  	[dreg:$0x5] =	wrdreg $0x1A8000  }
0xb2: {  	[dreg:$0x6] =	wrdreg $0x9  }
0xb3: {  	_ =	task.clear_ibuf [dreg:s7], $0x7FFFF;
	_ =	strace $0x90000046  }
0xb4: {  	s29 =	simm.s32 $0x9;
	_ =	strace $0x80000048  }
0xb5: {  	_ =	swait.ge [sflag:s29], $0x1  }
0xb6: {  	[sflag:s29] =	ssyncadd.s32 $0xFFFFFFFF  }
0xb7: {  	_ =	strace $0x90000048  }
0xb8: {  	_ =	sfence  }
0xb9: {  	s30 =	sld [smem:$0x0];
	_ =	sdelay $0x2  }
0xba: {  	s31 =	sshll.u32 s1, $0xD;
	s1 =	sshrl.u32 s1, $0x2  }
0xbb: {  	s3 =	sand.u32 $0x4000, s31;
	s1 =	sadd.s32 s1, s30  }
0xbc: {  	s0 =	sor.u32 s3, s0;
	s1 =	sshll.u32 s1, $0x11  }
0xbd: {  	s0 =	sor.u32 s1, s0  }
0xbe: {  	s0 =	sadd.s32 $0x8F2B, s0  }
0xbf: {  	[sflag:s0] =	ssyncadd.remote.s32 $0x1  }
0xc0: {  	_ =	sfence.sel $0xFFFF  }
0xc1: {  	[dreg:$0x0] =	wrdreg $0xFFFFFFFF;
	(pc) =	sbr.abs _section_cstart, $3  }
0xc2: {  	[dreg:$0x1] =	wrdreg $0xFFFFFFFF  }
0xc3: {  	_ =	task.clear_ibuf [dreg:s7], $0x2FFFF;
	_ =	strace $0x9FFFFFFF  }
0xc4: {  	(tm) =	ssettm $0x7FFFFFFF  }
0xc5: {  	_ =	shalt  }
tec
execute0_lowered:
.L_overlay_start_1:
0x0: {  	(tag) =	ssettag $0x1  }
0x1: {  	s17 =	rddreg [dreg:$0x0]  }
0x2: {  	s9 =	rddreg [dreg:$0x1]  }
0x3: {  	s4 =	rddreg [dreg:$0x2]  }
0x4: {  	s3 =	rddreg [dreg:$0x3];
	s1 =	simm.s32 $0x0  }
0x5: {  	v0 =	vimm.s32 $0x10;
	[smem:$0x7FF] =	sst s1  }
0x6: {  	s0 =	rddreg [dreg:$0x4];
	_ =	strace $0x80000047;
	[tilespmem:$0x400] =	vst v0  }
0x7: {  	[tilespmem:$0x630] =	vst v0  }
0x8: {  	[tilespmem:$0x620] =	vst v0  }
0x9: {  	[tilespmem:$0x610] =	vst v0  }
0xa: {  	[tilespmem:$0x600] =	vst v0  }
0xb: {  	[tilespmem:$0x5F0] =	vst v0  }
0xc: {  	[tilespmem:$0x5E0] =	vst v0  }
0xd: {  	[tilespmem:$0x5D0] =	vst v0  }
0xe: {  	[tilespmem:$0x5C0] =	vst v0  }
0xf: {  	[tilespmem:$0x5B0] =	vst v0  }
0x10: {  	[tilespmem:$0x5A0] =	vst v0  }
0x11: {  	[tilespmem:$0x590] =	vst v0  }
0x12: {  	[tilespmem:$0x580] =	vst v0  }
0x13: {  	[tilespmem:$0x570] =	vst v0  }
0x14: {  	[tilespmem:$0x560] =	vst v0  }
0x15: {  	[tilespmem:$0x550] =	vst v0  }
0x16: {  	[tilespmem:$0x540] =	vst v0  }
0x17: {  	[tilespmem:$0x530] =	vst v0  }
0x18: {  	[tilespmem:$0x520] =	vst v0  }
0x19: {  	[tilespmem:$0x510] =	vst v0  }
0x1a: {  	[tilespmem:$0x500] =	vst v0  }
0x1b: {  	[tilespmem:$0x4F0] =	vst v0  }
0x1c: {  	[tilespmem:$0x4E0] =	vst v0  }
0x1d: {  	[tilespmem:$0x4D0] =	vst v0  }
0x1e: {  	[tilespmem:$0x4C0] =	vst v0  }
0x1f: {  	[tilespmem:$0x4B0] =	vst v0  }
0x20: {  	[tilespmem:$0x4A0] =	vst v0  }
0x21: {  	[tilespmem:$0x490] =	vst v0  }
0x22: {  	[tilespmem:$0x480] =	vst v0  }
0x23: {  	s2 =	stileid.u32;
	[tilespmem:$0x470] =	vst v0  }
0x24: {  	s5 =	smul.u32 $0x900, s2;
	[tilespmem:$0x460] =	vst v0  }
0x25: {  	[tilespmem:$0x450] =	vst v0  }
0x26: {  	[tilespmem:$0x440] =	vst v0;
	s5 =	sshrl.u32 s5, $0x2  }
0x27: {  	[tilespmem:$0x430] =	vst v0;
	s5 =	sadd.s32 s5, s3  }
0x28: {  	[tilespmem:$0x420] =	vst v0;
	[dreg:$0x5] =	wrdreg s5  }
0x29: {  	s7 =	simm.s32 $0x400;
	[tilespmem:$0x410] =	vst v0;
	s5 =	simm.s32 $0x3;
	s6 =	rddreg [dreg:$0x5]  }
0x2a: {  	[spmem:s6] =	stream.linear.scatter [tilespmem:s7], [sflag:$0x3], $0x240, $0x38;
	[tilespmem:$0x1AA40] =	vst v63  }
0x2b: {  	s6 =	sshll.u32 s2, $0x6;
	_ =	swait.ge [sflag:s5], $0x240  }
0x2c: {  	s8 =	sadd.s32 s6, s17;
	[sflag:s5] =	ssyncset.done $0x0  }
0x2d: {  	s8 =	sadd.s32 $0x1A00, s8;
	[sflag:s5] =	ssyncadd.s32 $0xFFFFFDC0  }
0x2e: {  	[tilespmem:s1], [sflag:$0x3] =	stream.linear.gather [hbm4b:s8+s1], $0x200, $0x38;
	[tilespmem:$0x1AA40] =	vst v63  }
0x2f: {  	_ =	swait.ge [sflag:s5], $0x200  }
0x30: {  	[sflag:s5] =	ssyncset.done $0x0  }
0x31: {  	v1 =	vmov s2;
	[sflag:s5] =	ssyncadd.s32 $0xFFFFFE00  }
0x32: {  	[tilespmem:$0x3F0] =	vst v1  }
0x33: {  	[tilespmem:$0x3E0] =	vst v1  }
0x34: {  	[tilespmem:$0x3D0] =	vst v1  }
0x35: {  	[tilespmem:$0x3C0] =	vst v1  }
0x36: {  	[tilespmem:$0x3B0] =	vst v1  }
0x37: {  	[tilespmem:$0x3A0] =	vst v1  }
0x38: {  	[tilespmem:$0x390] =	vst v1  }
0x39: {  	[tilespmem:$0x380] =	vst v1  }
0x3a: {  	[tilespmem:$0x370] =	vst v1  }
0x3b: {  	[tilespmem:$0x360] =	vst v1  }
0x3c: {  	[tilespmem:$0x350] =	vst v1  }
0x3d: {  	[tilespmem:$0x340] =	vst v1  }
0x3e: {  	[tilespmem:$0x330] =	vst v1  }
0x3f: {  	[tilespmem:$0x320] =	vst v1  }
0x40: {  	[tilespmem:$0x310] =	vst v1  }
0x41: {  	[tilespmem:$0x300] =	vst v1  }
0x42: {  	[tilespmem:$0x2F0] =	vst v1  }
0x43: {  	[tilespmem:$0x2E0] =	vst v1  }
0x44: {  	[tilespmem:$0x2D0] =	vst v1  }
0x45: {  	[tilespmem:$0x2C0] =	vst v1  }
0x46: {  	[tilespmem:$0x2B0] =	vst v1  }
0x47: {  	[tilespmem:$0x2A0] =	vst v1  }
0x48: {  	[tilespmem:$0x290] =	vst v1  }
0x49: {  	[tilespmem:$0x280] =	vst v1  }
0x4a: {  	[tilespmem:$0x270] =	vst v1  }
0x4b: {  	[tilespmem:$0x260] =	vst v1  }
0x4c: {  	[tilespmem:$0x250] =	vst v1  }
0x4d: {  	[tilespmem:$0x240] =	vst v1  }
0x4e: {  	[tilespmem:$0x230] =	vst v1  }
0x4f: {  	[tilespmem:$0x220] =	vst v1  }
0x50: {  	[tilespmem:$0x200] =	vst v1  }
0x51: {  	s10 =	sshll.u32 s2, $0xD;
	[tilespmem:$0x210] =	vst v1  }
0x52: {  	s9 =	sadd.s32 s9, s10;
	s10 =	simm.s32 $0x680;
	[bflag:$0x0] =	sbarrier.arrive $0xFFFF  }
0x53: {  	[tilespmem:s10], [sflag:$0x3] =	stream.linear.gather [hbm4b:s9+s1], $0x4000, $0x38;
	[tilespmem:$0x1AA40] =	vst v63  }
0x54: {  	_ =	swait.ge [sflag:s5], $0x4000  }
0x55: {  	[sflag:s5] =	ssyncset.done $0x0  }
0x56: {  	s12 =	simm.s32 $0x80;
	[sflag:s5] =	ssyncadd.s32 $0xFFFFC000  }
0x57: {  	[spmem:s4] =	stream.indirect.scatter [tilespmem:s10], [sflag:$0x1], $0x80, s1, s12, $0xb8;
	[tilespmem:$0x1AA40] =	vst v63  }
0x58: {  	s13 =	simm.s32 $0x200  }
0x59: {  	[spmem:s3] =	stream.indirect.scatter [tilespmem:s13], [sflag:$0x2], $0x1, s1, s12, $0xb8;
	[tilespmem:$0x1AA40] =	vst v63  }
0x5a: {  	s15 =	simm.s32 $0x4680;
	s14 =	sadd.s32 $0x800, s9  }
0x5b: {  	[tilespmem:s15], [sflag:$0x3] =	stream.linear.gather [hbm4b:s14+s1], $0x4000, $0x38;
	[tilespmem:$0x1AA40] =	vst v63  }
0x5c: {  	_ =	swait.ge [sflag:s5], $0x4000  }
0x5d: {  	[sflag:s5] =	ssyncset.done $0x0  }
0x5e: {  	[sflag:s5] =	ssyncadd.s32 $0xFFFFC000  }
0x5f: {  	[spmem:s4] =	stream.indirect.scatter [tilespmem:s15], [sflag:$0x1], $0x80, s12, s12, $0xb8;
	[tilespmem:$0x1AA40] =	vst v63  }
0x60: {  	s18 =	srdreg.scid;
	s16 =	simm.s32 $0x280;
	s11 =	simm.s32 $0x1  }
0x61: {  	[spmem:s3] =	stream.indirect.scatter [tilespmem:s16], [sflag:$0x2], $0x1, s12, s12, $0xb8;
	[tilespmem:$0x1AA40] =	vst v63  }
0x62: {  	s24 =	simm.s32 $0x300;
	s28 =	simm.s32 $0x180;
	_ =	swait.ge [sflag:s11], $0x4000  }
0x63: {  	s19 =	sand.u32 $0x1, s18;
	s26 =	sshll.u32 s2, $0x1;
	[sflag:s11] =	ssyncset.done $0x0  }
0x64: {  	s20 =	sor.u32 s19, s26;
	s18 =	sadd.s32 $0x1000, s9;
	[sflag:s11] =	ssyncadd.s32 $0xFFFFC000  }
0x65: {  	[tilespmem:s10], [sflag:$0x3] =	stream.linear.gather [hbm4b:s18+s1], $0x4000, $0x38;
	[tilespmem:$0x1AA40] =	vst v63  }
0x66: {  	s19 =	ssub.s32 $0x2, s19;
	s21 =	smul.u32 $0x1200, s20;
	_ =	swait.ge [sflag:s5], $0x4000  }
0x67: {  	s23 =	smul.u32 $0x120, s20;
	s26 =	sshrl.u32 s19, $0x1;
	[sflag:s5] =	ssyncset.done $0x0  }
0x68: {  	s22 =	sadd.s32 s21, s17;
	s21 =	simm.s32 $0x100;
	[sflag:s5] =	ssyncadd.s32 $0xFFFFC000  }
0x69: {  	[spmem:s4] =	stream.indirect.scatter [tilespmem:s10], [sflag:$0x1], $0x80, s21, s12, $0xb8;
	[tilespmem:$0x1AA40] =	vst v63  }
0x6a: {  	s20 =	smul.u32 $0x24000, s20;
	s31 =	ssub.s32 s19, s26;
	s26 =	sadd.s32 $0x1800, s9  }
0x6b: {  	[spmem:s3] =	stream.indirect.scatter [tilespmem:s24], [sflag:$0x2], $0x1, s21, s12, $0xb8;
	[tilespmem:$0x1AA40] =	vst v63  }
0x6c: {  	s25 =	sshrl.u32 s23, $0x3;
	s20 =	sshrl.u32 s20, $0x2;
	_ =	swait.ge [sflag:s11], $0x4000  }
0x6d: {  	s19 =	sadd.s32 s23, s3;
	s31 =	smax.u32 s31, $0x1;
	[sflag:s11] =	ssyncset.done $0x0  }
0x6e: {  	s29 =	sadd.s32 s20, s4;
	p0 =	sne.s32 s31, $0x1;
	[sflag:s11] =	ssyncadd.s32 $0xFFFFC000  }
0x6f: {  	[tilespmem:s15], [sflag:$0x3] =	stream.linear.gather [hbm4b:s26+s1], $0x4000, $0x38;
	[tilespmem:$0x1AA40] =	vst v63  }
.Ltmp0:
0x70: {  	s20 =	sadd.s32 $0x2400, s22;
	s30 =	sadd.s32 $0xFFFFFFFF, s31;
	(pc) =	sbr.rel @!p0 .LBB2_2-.Ltmp0, $4  }
0x71: {  	s22 =	simm.s32 $0x8680;
	s23 =	sshrl.u32 s29, $0x3;
	_ =	swait.ge [sflag:s5], $0x4000  }
0x72: {  	s29 =	simm.s32 $0x380;
	s17 =	sadd.s32 s25, s17;
	[sflag:s5] =	ssyncset.done $0x0  }
0x73: {  	s25 =	simm.s32 $0x2;
	s17 =	sadd.s32 $0x1E00, s17;
	[sflag:s5] =	ssyncadd.s32 $0xFFFFC000  }
0x74: {  	[spmem:s4] =	stream.indirect.scatter [tilespmem:s15], [sflag:$0x1], $0x80, s28, s12, $0xb8;
	[tilespmem:$0x1AA40] =	vst v63  }
.LBB2_1:
0x75: {  	[spmem:s3] =	stream.indirect.scatter [tilespmem:s29], [sflag:$0x2], $0x1, s28, s12, $0xb8;
	[tilespmem:$0x1AA40] =	vst v63  }
0x76: {  	_ =	swait.ge [sflag:s25], $0x80  }
0x77: {  	[sflag:s25] =	ssyncset.done $0x0  }
0x78: {  	[sflag:s25] =	ssyncadd.s32 $0xFFFFFF80  }
0x79: {  	_ =	swait.ge [sflag:s25], $0x80  }
0x7a: {  	[sflag:s25] =	ssyncset.done $0x0  }
0x7b: {  	[sflag:s25] =	ssyncadd.s32 $0xFFFFFF80  }
0x7c: {  	_ =	swait.ge [sflag:s11], $0x4000  }
0x7d: {  	[sflag:s11] =	ssyncset.done $0x0  }
0x7e: {  	[sflag:s11] =	ssyncadd.s32 $0xFFFFC000  }
0x7f: {  	_ =	swait.ge [sflag:s25], $0x80  }
0x80: {  	[sflag:s25] =	ssyncset.done $0x0  }
0x81: {  	[sflag:s25] =	ssyncadd.s32 $0xFFFFFF80  }
0x82: {  	_ =	swait.ge [sflag:s11], $0x4000  }
0x83: {  	[sflag:s11] =	ssyncset.done $0x0  }
0x84: {  	[sflag:s11] =	ssyncadd.s32 $0xFFFFC000  }
0x85: {  	_ =	swait.ge [sflag:s25], $0x80  }
0x86: {  	[sflag:s25] =	ssyncset.done $0x0  }
0x87: {  	[sflag:s25] =	ssyncadd.s32 $0xFFFFFF80  }
0x88: {  	s31 =	sor.u32 $0x1C03, s6;
	[bflag:$0x0] =	sbarrier.arrive $0xFFFF  }
0x89: {  	[hbm:s20], [sflag:s31] =	dma.local [spmem:s23], $0x1200  }
0x8a: {  	_ =	swait.ge [sflag:s5], $0x1200  }
0x8b: {  	[sflag:s5] =	ssyncset.done $0x0  }
0x8c: {  	[sflag:s5] =	ssyncadd.s32 $0xFFFFEE00  }
0x8d: {  	[tilespmem:s22], [sflag:$0x3] =	stream.linear.gather [spmem:s19], $0x120, $0x38;
	[tilespmem:$0x1AA40] =	vst v63  }
0x8e: {  	_ =	swait.ge [sflag:s5], $0x120  }
0x8f: {  	[sflag:s5] =	ssyncset.done $0x0  }
0x90: {  	[sflag:s5] =	ssyncadd.s32 $0xFFFFFEE0  }
0x91: {  	[hbm4b:s17+s1] =	stream.linear.scatter [tilespmem:s22], [sflag:$0x3], $0x120, $0x38;
	[tilespmem:$0x1AA40] =	vst v63  }
0x92: {  	_ =	swait.ge [sflag:s5], $0x120  }
0x93: {  	[sflag:s5] =	ssyncset.done $0x0  }
0x94: {  	[sflag:s5] =	ssyncadd.s32 $0xFFFFFEE0  }
0x95: {  	[tilespmem:$0x400] =	vst v0  }
0x96: {  	[tilespmem:$0x630] =	vst v0  }
0x97: {  	[tilespmem:$0x620] =	vst v0  }
0x98: {  	[tilespmem:$0x610] =	vst v0  }
0x99: {  	[tilespmem:$0x600] =	vst v0  }
0x9a: {  	[tilespmem:$0x5F0] =	vst v0  }
0x9b: {  	[tilespmem:$0x5E0] =	vst v0  }
0x9c: {  	[tilespmem:$0x5D0] =	vst v0  }
0x9d: {  	[tilespmem:$0x5C0] =	vst v0  }
0x9e: {  	[tilespmem:$0x5B0] =	vst v0  }
0x9f: {  	[tilespmem:$0x5A0] =	vst v0  }
0xa0: {  	[tilespmem:$0x590] =	vst v0  }
0xa1: {  	[tilespmem:$0x580] =	vst v0  }
0xa2: {  	[tilespmem:$0x570] =	vst v0  }
0xa3: {  	[tilespmem:$0x560] =	vst v0  }
0xa4: {  	[tilespmem:$0x550] =	vst v0  }
0xa5: {  	[tilespmem:$0x540] =	vst v0  }
0xa6: {  	[tilespmem:$0x530] =	vst v0  }
0xa7: {  	[tilespmem:$0x520] =	vst v0  }
0xa8: {  	[tilespmem:$0x510] =	vst v0  }
0xa9: {  	[tilespmem:$0x500] =	vst v0  }
0xaa: {  	[tilespmem:$0x4F0] =	vst v0  }
0xab: {  	[tilespmem:$0x4E0] =	vst v0  }
0xac: {  	[tilespmem:$0x4D0] =	vst v0  }
0xad: {  	[tilespmem:$0x4C0] =	vst v0  }
0xae: {  	[tilespmem:$0x4B0] =	vst v0  }
0xaf: {  	[tilespmem:$0x4A0] =	vst v0  }
0xb0: {  	[tilespmem:$0x490] =	vst v0  }
0xb1: {  	[tilespmem:$0x480] =	vst v0  }
0xb2: {  	[tilespmem:$0x470] =	vst v0  }
0xb3: {  	[tilespmem:$0x460] =	vst v0  }
0xb4: {  	[tilespmem:$0x450] =	vst v0  }
0xb5: {  	[tilespmem:$0x440] =	vst v0  }
0xb6: {  	[tilespmem:$0x430] =	vst v0  }
0xb7: {  	[tilespmem:$0x420] =	vst v0  }
0xb8: {  	s31 =	rddreg [dreg:$0x5];
	[tilespmem:$0x410] =	vst v0  }
0xb9: {  	[spmem:s31] =	stream.linear.scatter [tilespmem:s7], [sflag:$0x3], $0x240, $0x38;
	[tilespmem:$0x1AA40] =	vst v63  }
0xba: {  	_ =	swait.ge [sflag:s5], $0x240  }
0xbb: {  	[sflag:s5] =	ssyncset.done $0x0  }
0xbc: {  	[sflag:s5] =	ssyncadd.s32 $0xFFFFFDC0  }
0xbd: {  	[tilespmem:s1], [sflag:$0x3] =	stream.linear.gather [hbm4b:s8+s1], $0x200, $0x38;
	[tilespmem:$0x1AA40] =	vst v63  }
0xbe: {  	_ =	swait.ge [sflag:s5], $0x200  }
0xbf: {  	[sflag:s5] =	ssyncset.done $0x0  }
0xc0: {  	[sflag:s5] =	ssyncadd.s32 $0xFFFFFE00  }
0xc1: {  	[tilespmem:$0x3F0] =	vst v1  }
0xc2: {  	[tilespmem:$0x3E0] =	vst v1  }
0xc3: {  	[tilespmem:$0x3D0] =	vst v1  }
0xc4: {  	[tilespmem:$0x3C0] =	vst v1  }
0xc5: {  	[tilespmem:$0x3B0] =	vst v1  }
0xc6: {  	[tilespmem:$0x3A0] =	vst v1  }
0xc7: {  	[tilespmem:$0x390] =	vst v1  }
0xc8: {  	[tilespmem:$0x380] =	vst v1  }
0xc9: {  	[tilespmem:$0x370] =	vst v1  }
0xca: {  	[tilespmem:$0x360] =	vst v1  }
0xcb: {  	[tilespmem:$0x350] =	vst v1  }
0xcc: {  	[tilespmem:$0x340] =	vst v1  }
0xcd: {  	[tilespmem:$0x330] =	vst v1  }
0xce: {  	[tilespmem:$0x320] =	vst v1  }
0xcf: {  	[tilespmem:$0x310] =	vst v1  }
0xd0: {  	[tilespmem:$0x300] =	vst v1  }
0xd1: {  	[tilespmem:$0x2F0] =	vst v1  }
0xd2: {  	[tilespmem:$0x2E0] =	vst v1  }
0xd3: {  	[tilespmem:$0x2D0] =	vst v1  }
0xd4: {  	[tilespmem:$0x2C0] =	vst v1  }
0xd5: {  	[tilespmem:$0x2B0] =	vst v1  }
0xd6: {  	[tilespmem:$0x2A0] =	vst v1  }
0xd7: {  	[tilespmem:$0x290] =	vst v1  }
0xd8: {  	[tilespmem:$0x280] =	vst v1  }
0xd9: {  	[tilespmem:$0x270] =	vst v1  }
0xda: {  	[tilespmem:$0x260] =	vst v1  }
0xdb: {  	[tilespmem:$0x250] =	vst v1  }
0xdc: {  	[tilespmem:$0x240] =	vst v1  }
0xdd: {  	[tilespmem:$0x230] =	vst v1  }
0xde: {  	[tilespmem:$0x220] =	vst v1  }
0xdf: {  	[tilespmem:$0x200] =	vst v1  }
0xe0: {  	[tilespmem:$0x210] =	vst v1  }
0xe1: {  	[bflag:$0x0] =	sbarrier.arrive $0xFFFF  }
0xe2: {  	[tilespmem:s10], [sflag:$0x3] =	stream.linear.gather [hbm4b:s9+s1], $0x4000, $0x38;
	[tilespmem:$0x1AA40] =	vst v63  }
0xe3: {  	_ =	swait.ge [sflag:s5], $0x4000  }
0xe4: {  	[sflag:s5] =	ssyncset.done $0x0  }
0xe5: {  	[sflag:s5] =	ssyncadd.s32 $0xFFFFC000  }
0xe6: {  	[spmem:s4] =	stream.indirect.scatter [tilespmem:s10], [sflag:$0x1], $0x80, s1, s12, $0xb8;
	[tilespmem:$0x1AA40] =	vst v63  }
0xe7: {  	_ = 	snop  }
0xe8: {  	[spmem:s3] =	stream.indirect.scatter [tilespmem:s13], [sflag:$0x2], $0x1, s1, s12, $0xb8;
	[tilespmem:$0x1AA40] =	vst v63  }
0xe9: {  	_ = 	snop  }
0xea: {  	[tilespmem:s15], [sflag:$0x3] =	stream.linear.gather [hbm4b:s14+s1], $0x4000, $0x38;
	[tilespmem:$0x1AA40] =	vst v63  }
0xeb: {  	_ =	swait.ge [sflag:s5], $0x4000  }
0xec: {  	[sflag:s5] =	ssyncset.done $0x0  }
0xed: {  	[sflag:s5] =	ssyncadd.s32 $0xFFFFC000  }
0xee: {  	[spmem:s4] =	stream.indirect.scatter [tilespmem:s15], [sflag:$0x1], $0x80, s12, s12, $0xb8;
	[tilespmem:$0x1AA40] =	vst v63  }
0xef: {  	_ = 	snop  }
0xf0: {  	[spmem:s3] =	stream.indirect.scatter [tilespmem:s16], [sflag:$0x2], $0x1, s12, s12, $0xb8;
	[tilespmem:$0x1AA40] =	vst v63  }
0xf1: {  	_ =	swait.ge [sflag:s11], $0x4000  }
0xf2: {  	[sflag:s11] =	ssyncset.done $0x0  }
0xf3: {  	[sflag:s11] =	ssyncadd.s32 $0xFFFFC000  }
0xf4: {  	[tilespmem:s10], [sflag:$0x3] =	stream.linear.gather [hbm4b:s18+s1], $0x4000, $0x38;
	[tilespmem:$0x1AA40] =	vst v63  }
0xf5: {  	_ =	swait.ge [sflag:s5], $0x4000  }
0xf6: {  	[sflag:s5] =	ssyncset.done $0x0  }
0xf7: {  	[sflag:s5] =	ssyncadd.s32 $0xFFFFC000  }
0xf8: {  	[spmem:s4] =	stream.indirect.scatter [tilespmem:s10], [sflag:$0x1], $0x80, s21, s12, $0xb8;
	[tilespmem:$0x1AA40] =	vst v63  }
0xf9: {  	_ = 	snop  }
0xfa: {  	[spmem:s3] =	stream.indirect.scatter [tilespmem:s24], [sflag:$0x2], $0x1, s21, s12, $0xb8;
	[tilespmem:$0x1AA40] =	vst v63  }
0xfb: {  	_ =	swait.ge [sflag:s11], $0x4000  }
0xfc: {  	[sflag:s11] =	ssyncset.done $0x0  }
0xfd: {  	p0 =	sne.s32 s30, $0x1;
	[sflag:s11] =	ssyncadd.s32 $0xFFFFC000  }
0xfe: {  	[tilespmem:s15], [sflag:$0x3] =	stream.linear.gather [hbm4b:s26+s1], $0x4000, $0x38;
	[tilespmem:$0x1AA40] =	vst v63  }
.Ltmp1:
0xff: {  	_ = 	snop;
	(pc) =	sbr.rel @p0 .LBB2_1-.Ltmp1, $4  }
0x100: {  	_ =	swait.ge [sflag:s5], $0x4000  }
0x101: {  	[sflag:s5] =	ssyncset.done $0x0  }
0x102: {  	s30 =	sadd.s32 $0xFFFFFFFF, s30;
	[sflag:s5] =	ssyncadd.s32 $0xFFFFC000  }
0x103: {  	[spmem:s4] =	stream.indirect.scatter [tilespmem:s15], [sflag:$0x1], $0x80, s28, s12, $0xb8;
	[tilespmem:$0x1AA40] =	vst v63  }
.LBB2_2:
0x104: {  	[spmem:s3] =	stream.indirect.scatter [tilespmem:s29], [sflag:$0x2], $0x1, s28, s12, $0xb8;
	[tilespmem:$0x1AA40] =	vst v63  }
0x105: {  	_ =	swait.ge [sflag:s25], $0x80  }
0x106: {  	[sflag:s25] =	ssyncset.done $0x0  }
0x107: {  	[sflag:s25] =	ssyncadd.s32 $0xFFFFFF80  }
0x108: {  	_ =	swait.ge [sflag:s25], $0x80  }
0x109: {  	[sflag:s25] =	ssyncset.done $0x0  }
0x10a: {  	[sflag:s25] =	ssyncadd.s32 $0xFFFFFF80  }
0x10b: {  	_ =	swait.ge [sflag:s11], $0x4000  }
0x10c: {  	[sflag:s11] =	ssyncset.done $0x0  }
0x10d: {  	[sflag:s11] =	ssyncadd.s32 $0xFFFFC000  }
0x10e: {  	_ =	swait.ge [sflag:s25], $0x80  }
0x10f: {  	[sflag:s25] =	ssyncset.done $0x0  }
0x110: {  	[sflag:s25] =	ssyncadd.s32 $0xFFFFFF80  }
0x111: {  	_ =	swait.ge [sflag:s11], $0x4000  }
0x112: {  	[sflag:s11] =	ssyncset.done $0x0  }
0x113: {  	[sflag:s11] =	ssyncadd.s32 $0xFFFFC000  }
0x114: {  	_ =	swait.ge [sflag:s25], $0x80  }
0x115: {  	[sflag:s25] =	ssyncset.done $0x0  }
0x116: {  	[sflag:s25] =	ssyncadd.s32 $0xFFFFFF80  }
0x117: {  	s31 =	sor.u32 $0x1C03, s6;
	[bflag:$0x0] =	sbarrier.arrive $0xFFFF  }
0x118: {  	[hbm:s20], [sflag:s31] =	dma.local [spmem:s23], $0x1200  }
0x119: {  	_ =	swait.ge [sflag:s5], $0x1200  }
0x11a: {  	[sflag:s5] =	ssyncset.done $0x0  }
0x11b: {  	[sflag:s5] =	ssyncadd.s32 $0xFFFFEE00  }
0x11c: {  	[tilespmem:s22], [sflag:$0x3] =	stream.linear.gather [spmem:s19], $0x120, $0x38;
	[tilespmem:$0x1AA40] =	vst v63  }
0x11d: {  	_ =	swait.ge [sflag:s5], $0x120  }
0x11e: {  	[sflag:s5] =	ssyncset.done $0x0  }
0x11f: {  	[sflag:s5] =	ssyncadd.s32 $0xFFFFFEE0  }
0x120: {  	[hbm4b:s17+s1] =	stream.linear.scatter [tilespmem:s22], [sflag:$0x3], $0x120, $0x38;
	[tilespmem:$0x1AA40] =	vst v63  }
0x121: {  	_ =	swait.ge [sflag:s5], $0x120  }
0x122: {  	[sflag:s5] =	ssyncset.done $0x0  }
0x123: {  	[sflag:s5] =	ssyncadd.s32 $0xFFFFFEE0  }
0x124: {  	_ =	sfence.sel $0x180000  }
0x125: {  	[bflag:$0x0] =	sbarrier.arrive $0xFFFF  }
0x126: {  	p0 =	sne.s32 s2, $0x0;
	_ =	strace $0x90000047  }
0x127: {  	s0 =	sadd.s32 @!p0 $0x100000, s0;
	[bflag:$0x2] =	sbarrier.arrive $0xFFFF  }
0x128: {  	[sflag:s0] =	ssyncadd.tile.s32 @!p0 $0x1;
	_ =	shalt  }
.Lfunc_end2:
_tile_overlayer_lowered:
.L_overlay_start_2:
0x129: {  	(tag) =	ssettag $0x2  }
0x12a: {  	s0 =	rddreg [dreg:$0x0];
	s2 =	stileid.u32  }
0x12b: {  	s1 =	rddreg [dreg:$0x1];
	p0 =	sne.s32 s2, $0x0  }
0x12c: {  	s3 =	rddreg [dreg:$0x2];
	[bflag:$0x3] =	sbarrier.arrive $0xFFFF;
	s2 =	simm.s32 @!p0 $0x1C03  }
0x12d: {  	[timem:s3], [sflag:s2] =	dma.local @!p0 [hbm:s0], s1  }
0x12e: {  	s0 =	simm.s32 @!p0 $0x3  }
0x12f: {  	_ =	swait.ge @!p0 [sflag:s0], s1  }
0x130: {  	s1 =	ssub.s32 @!p0 $0x0, s1;
	[sflag:s0] =	ssyncset.done @!p0 $0x0  }
0x131: {  	[sflag:s0] =	ssyncadd.s32 @!p0 s1  }
0x132: {  	[bflag:$0x3] =	sbarrier.arrive $0xFFFF  }
0x133: {  	_ =	shalt  }

</sc_bundles>
